<compile_context>
chip_gen: v7x
topology: tpu7x:2x2x1
jax: 0.10.2.dev20260603
libtpu: 0.0.44.dev20260713+nightly
codegen_flags: <defaults>
</compile_context>

<pallas_src>
import functools

import jax
import jax.numpy as jnp
from jax import lax
from jax.experimental import pallas as pl
from jax.experimental.pallas import tpu as pltpu
from jax.experimental.pallas import tpu_sc as plsc

B = 16384
D = 128
NC = 2
NS = 16
L = 16
NW = NC * NS
BPW = B // NW
CH = 64
NCHUNK = BPW // CH
NG = CH // L

_mesh = plsc.VectorSubcoreMesh(core_axis_name="c", subcore_axis_name="s")


@functools.partial(
    pl.kernel,
    mesh=_mesh,
    compiler_params=pltpu.CompilerParams(needs_layout_passes=False),
    out_type=jax.ShapeDtypeStruct((B,), jnp.float32),
    scratch_types=[
        pltpu.VMEM((BPW,), jnp.int32),
        pltpu.VMEM((BPW,), jnp.int32),
        pltpu.VMEM((4, CH, D), jnp.float32),
        pltpu.VMEM((4, CH, D), jnp.float32),
        pltpu.VMEM((L * 17,), jnp.float32),
        pltpu.VMEM((BPW,), jnp.float32),
        pltpu.SemaphoreType.DMA((4,)),
        pltpu.SemaphoreType.DMA,
    ],
)
def _mf_sc(user_hbm, item_hbm, uemb_hbm, iemb_hbm, out_hbm,
           uidx_v, iidx_v, urows_v, irows_v, pbuf, outv, sems, semi):
    wid = lax.axis_index("s") * NC + lax.axis_index("c")
    base = wid * BPW

    ci = pltpu.async_copy(user_hbm.at[pl.ds(base, BPW)], uidx_v, semi)
    cj = pltpu.async_copy(item_hbm.at[pl.ds(base, BPW)], iidx_v, semi)
    ci.wait()
    cj.wait()

    lane17 = lax.iota(jnp.int32, L) * 17

    def start(c, b):
        pltpu.async_copy(
            uemb_hbm.at[uidx_v.at[pl.ds(c * CH, CH)]], urows_v.at[b], sems.at[b])
        pltpu.async_copy(
            iemb_hbm.at[iidx_v.at[pl.ds(c * CH, CH)]], irows_v.at[b], sems.at[b])

    start(0, 0)
    start(1, 1)
    start(2, 2)
    start(3, 3)

    def chunk_body(c, carry):
        b = lax.rem(c, 4)
        pltpu.make_async_copy(
            uemb_hbm.at[uidx_v.at[pl.ds(c * CH, CH)]], urows_v.at[b], sems.at[b]).wait()
        pltpu.make_async_copy(
            iemb_hbm.at[iidx_v.at[pl.ds(c * CH, CH)]], irows_v.at[b], sems.at[b]).wait()

        def group_body(g, carry2):
            def row_body(kk, carry3):
                for t in range(2):
                    k = 2 * kk + t
                    r = g * L + k
                    part = jnp.zeros((L,), jnp.float32)
                    for j in range(D // L):
                        uu = urows_v[b, r, pl.ds(j * L, L)]
                        vv = irows_v[b, r, pl.ds(j * L, L)]
                        part = part + uu * vv
                    plsc.store_scatter(pbuf, [lane17 + k], part)
                return carry3

            lax.fori_loop(0, L // 2, row_body, 0)
            acc = jnp.zeros((L,), jnp.float32)
            for j in range(L):
                acc = acc + pbuf[pl.ds(j * 17, L)]
            outv[pl.ds(c * CH + g * L, L)] = acc
            return carry2

        lax.fori_loop(0, NG, group_body, 0)

        @pl.when(c + 4 < NCHUNK)
        def _():
            start(c + 4, b)

        return carry

    lax.fori_loop(0, NCHUNK, chunk_body, 0)

    pltpu.sync_copy(outv, out_hbm.at[pl.ds(base, BPW)])


def kernel(user, item, users_emb, items_emb):
    return _mf_sc(user, item, users_emb, items_emb)

# --- scband reference (transcript-rebuilt; emitter-appended) ---
"""Pipeline reference for scband-mf-28363964023612 (READ-ONLY COPY).

The authoritative reference and input builder live on the scoring server;
editing this copy changes nothing except your own understanding.
"""

import jax, jax.numpy as jnp
import numpy as np

USER_NUMS = 100000
ITEM_NUMS = 100000
EMBED_DIM = 128
BATCH = 16384

def setup_inputs(seed: int = 0) -> dict:
    key = jax.random.key(seed)
    k_user, k_item, k_ue, k_ie = jax.random.split(key, 4)
    user = jax.random.randint(k_user, (BATCH,), 0, USER_NUMS, dtype=jnp.int64 if jax.config.jax_enable_x64 else jnp.int32).astype(jnp.int32)
    item = jax.random.randint(k_item, (BATCH,), 0, ITEM_NUMS, dtype=jnp.int64 if jax.config.jax_enable_x64 else jnp.int32).astype(jnp.int32)
    users_emb = jax.random.normal(k_ue, (USER_NUMS + 1, EMBED_DIM), dtype=jnp.float32)
    items_emb = jax.random.normal(k_ie, (ITEM_NUMS + 1, EMBED_DIM), dtype=jnp.float32)
    return {"user": user, "item": item, "users_emb": users_emb, "items_emb": items_emb}

def reference(user, item, users_emb, items_emb):
    # Embedding lookup (gather) for users and items, then per-row dot product.
    # Original torch code: torch.dot(users_emb(user), items_emb(item)) for a single
    # (user, item) pair; batched here as elementwise product + sum over embed dim.
    user_e = jnp.take(users_emb, user, axis=0)  # [B, D]
    item_e = jnp.take(items_emb, item, axis=0)  # [B, D]
    res = jnp.sum(user_e * item_e, axis=-1)     # [B]
    return res

if __name__ == "__main__":
    import jax
    _d = setup_inputs()
    print(jax.jit(kernel)(*tuple(_d.values())))

</pallas_src>

<mosaic_0001>
#map = affine_map<(d0, d1) -> (0)>
#map1 = affine_map<(d0, d1) -> (0, 0)>
module attributes {stable_mosaic.version = 14 : i64} {
  func.func @_mf_sc(%arg0: i32, %arg1: i32, %arg2: memref<16384xi32, #tpu.memory_space<hbm>>, %arg3: memref<16384xi32, #tpu.memory_space<hbm>>, %arg4: memref<100001x128xf32, #tpu.memory_space<hbm>>, %arg5: memref<100001x128xf32, #tpu.memory_space<hbm>>, %arg6: memref<16384xf32, #tpu.memory_space<hbm>>, %arg7: memref<512xi32, #tpu.memory_space<vmem>>, %arg8: memref<512xi32, #tpu.memory_space<vmem>>, %arg9: memref<4x64x128xf32, #tpu.memory_space<vmem>>, %arg10: memref<4x64x128xf32, #tpu.memory_space<vmem>>, %arg11: memref<272xf32, #tpu.memory_space<vmem>>, %arg12: memref<512xf32, #tpu.memory_space<vmem>>, %arg13: memref<4x!tpu.dma_semaphore, #tpu.memory_space<semaphore_mem>>, %arg14: memref<!tpu.dma_semaphore, #tpu.memory_space<semaphore_mem>>) attributes {dimension_semantics = [#tpu.dimension_semantics<core_parallel>, #tpu.dimension_semantics<subcore_parallel>], iteration_bounds = array<i64: 2, 16>, scalar_prefetch = 0 : i64, scratch_operands = 8 : i64, tpu.core_type = #tpu.core_type<sc_vector_subcore>, window_params = [{transform_indices = #map}, {transform_indices = #map}, {transform_indices = #map1}, {transform_indices = #map1}, {transform_indices = #map}]} {
    %mul3A = arith.constant 2 : i32
    %mul3A_0 = arith.muli %arg1, %mul3A : i32
    %add3A = arith.addi %mul3A_0, %arg0 : i32
    %mul3A_1 = arith.constant 512 : i32
    %mul3A_2 = arith.muli %add3A, %mul3A_1 : i32
    %dma_start3A = tpu.memref_slice %arg2[%mul3A_2] : memref<16384xi32, #tpu.memory_space<hbm>> -> memref<512xi32, #tpu.memory_space<hbm>>
    %dma_start3A_3 = tpu.memref_slice %arg2[%mul3A_2] : memref<16384xi32, #tpu.memory_space<hbm>> -> memref<512xi32, #tpu.memory_space<hbm>>
    tpu.enqueue_dma source(%dma_start3A_3 : memref<512xi32, #tpu.memory_space<hbm>>) target(%arg7 : memref<512xi32, #tpu.memory_space<vmem>>) target_semaphore(%arg14 : memref<!tpu.dma_semaphore, #tpu.memory_space<semaphore_mem>>)
    %dma_start3A_4 = tpu.memref_slice %arg3[%mul3A_2] : memref<16384xi32, #tpu.memory_space<hbm>> -> memref<512xi32, #tpu.memory_space<hbm>>
    %dma_start3A_5 = tpu.memref_slice %arg3[%mul3A_2] : memref<16384xi32, #tpu.memory_space<hbm>> -> memref<512xi32, #tpu.memory_space<hbm>>
    tpu.enqueue_dma source(%dma_start3A_5 : memref<512xi32, #tpu.memory_space<hbm>>) target(%arg8 : memref<512xi32, #tpu.memory_space<vmem>>) target_semaphore(%arg14 : memref<!tpu.dma_semaphore, #tpu.memory_space<semaphore_mem>>)
    %dma_wait3A = tpu.memref_slice %arg2[%mul3A_2] : memref<16384xi32, #tpu.memory_space<hbm>> -> memref<512xi32, #tpu.memory_space<hbm>>
    %dma_wait3A_6 = tpu.memref_slice %arg2[%mul3A_2] : memref<16384xi32, #tpu.memory_space<hbm>> -> memref<512xi32, #tpu.memory_space<hbm>>
    tpu.wait_dma2 semaphore(%arg14 : memref<!tpu.dma_semaphore, #tpu.memory_space<semaphore_mem>>) src(%dma_wait3A_6 : memref<512xi32, #tpu.memory_space<hbm>>) dst(%arg7 : memref<512xi32, #tpu.memory_space<vmem>>)
    %dma_wait3A_7 = tpu.memref_slice %arg3[%mul3A_2] : memref<16384xi32, #tpu.memory_space<hbm>> -> memref<512xi32, #tpu.memory_space<hbm>>
    %dma_wait3A_8 = tpu.memref_slice %arg3[%mul3A_2] : memref<16384xi32, #tpu.memory_space<hbm>> -> memref<512xi32, #tpu.memory_space<hbm>>
    tpu.wait_dma2 semaphore(%arg14 : memref<!tpu.dma_semaphore, #tpu.memory_space<semaphore_mem>>) src(%dma_wait3A_8 : memref<512xi32, #tpu.memory_space<hbm>>) dst(%arg8 : memref<512xi32, #tpu.memory_space<vmem>>)
    %iota3A = tpu.iota {dimensions = array<i32: 0>} : vector<16xi32>
    %mul3A_9 = arith.constant 17 : i32
    %mul3A_10 = vector.broadcast %mul3A_9 : i32 to vector<16xi32>
    %mul3A_11 = arith.muli %iota3A, %mul3A_10 : vector<16xi32>
    %dma_start3A_12 = arith.constant 0 : i32
    %dma_start3A_13 = arith.constant 0 : i32
    %dma_start3A_14 = arith.constant 0 : i32
    %dma_start3A_15 = arith.constant 0 : i32
    %dma_start3A_16 = tpu.memref_slice %arg9[%dma_start3A_12, %dma_start3A_14, %dma_start3A_15] : memref<4x64x128xf32, #tpu.memory_space<vmem>> -> memref<1x64x128xf32, #tpu.memory_space<vmem>>
    %dma_start3A_17 = tpu.memref_squeeze %dma_start3A_16 : memref<1x64x128xf32, #tpu.memory_space<vmem>> -> memref<64x128xf32, #tpu.memory_space<vmem>>
    %dma_start3A_18 = arith.constant 0 : i32
    %dma_start3A_19 = tpu.memref_slice %arg7[%dma_start3A_18] : memref<512xi32, #tpu.memory_space<vmem>> -> memref<64xi32, #tpu.memory_space<vmem>>
    %dma_start3A_20 = arith.constant 0 : i32
    %dma_start3A_21 = arith.constant 0 : i32
    %dma_start3A_22 = tpu.memref_slice %arg4[%dma_start3A_20, %dma_start3A_21] : memref<100001x128xf32, #tpu.memory_space<hbm>> -> memref<100001x128xf32, #tpu.memory_space<hbm>>
    %dma_start3A_23 = tpu.memref_slice %arg13[%dma_start3A_13] : memref<4x!tpu.dma_semaphore, #tpu.memory_space<semaphore_mem>> -> memref<1x!tpu.dma_semaphore, #tpu.memory_space<semaphore_mem>>
    %dma_start3A_24 = tpu.memref_squeeze %dma_start3A_23 : memref<1x!tpu.dma_semaphore, #tpu.memory_space<semaphore_mem>> -> memref<!tpu.dma_semaphore, #tpu.memory_space<semaphore_mem>>
    tpu.enqueue_indirect_dma source(%dma_start3A_22 : memref<100001x128xf32, #tpu.memory_space<hbm>>) target(%dma_start3A_17 : memref<64x128xf32, #tpu.memory_space<vmem>>) offsets(%dma_start3A_19 : memref<64xi32, #tpu.memory_space<vmem>>) semaphore(%dma_start3A_24 : memref<!tpu.dma_semaphore, #tpu.memory_space<semaphore_mem>>)
    %dma_start3A_25 = arith.constant 0 : i32
    %dma_start3A_26 = arith.constant 0 : i32
    %dma_start3A_27 = arith.constant 0 : i32
    %dma_start3A_28 = arith.constant 0 : i32
    %dma_start3A_29 = tpu.memref_slice %arg10[%dma_start3A_25, %dma_start3A_27, %dma_start3A_28] : memref<4x64x128xf32, #tpu.memory_space<vmem>> -> memref<1x64x128xf32, #tpu.memory_space<vmem>>
    %dma_start3A_30 = tpu.memref_squeeze %dma_start3A_29 : memref<1x64x128xf32, #tpu.memory_space<vmem>> -> memref<64x128xf32, #tpu.memory_space<vmem>>
    %dma_start3A_31 = arith.constant 0 : i32
    %dma_start3A_32 = tpu.memref_slice %arg8[%dma_start3A_31] : memref<512xi32, #tpu.memory_space<vmem>> -> memref<64xi32, #tpu.memory_space<vmem>>
    %dma_start3A_33 = arith.constant 0 : i32
    %dma_start3A_34 = arith.constant 0 : i32
    %dma_start3A_35 = tpu.memref_slice %arg5[%dma_start3A_33, %dma_start3A_34] : memref<100001x128xf32, #tpu.memory_space<hbm>> -> memref<100001x128xf32, #tpu.memory_space<hbm>>
    %dma_start3A_36 = tpu.memref_slice %arg13[%dma_start3A_26] : memref<4x!tpu.dma_semaphore, #tpu.memory_space<semaphore_mem>> -> memref<1x!tpu.dma_semaphore, #tpu.memory_space<semaphore_mem>>
    %dma_start3A_37 = tpu.memref_squeeze %dma_start3A_36 : memref<1x!tpu.dma_semaphore, #tpu.memory_space<semaphore_mem>> -> memref<!tpu.dma_semaphore, #tpu.memory_space<semaphore_mem>>
    tpu.enqueue_indirect_dma source(%dma_start3A_35 : memref<100001x128xf32, #tpu.memory_space<hbm>>) target(%dma_start3A_30 : memref<64x128xf32, #tpu.memory_space<vmem>>) offsets(%dma_start3A_32 : memref<64xi32, #tpu.memory_space<vmem>>) semaphore(%dma_start3A_37 : memref<!tpu.dma_semaphore, #tpu.memory_space<semaphore_mem>>)
    %dma_start3A_38 = arith.constant 1 : i32
    %dma_start3A_39 = arith.constant 1 : i32
    %dma_start3A_40 = arith.constant 0 : i32
    %dma_start3A_41 = arith.constant 0 : i32
    %dma_start3A_42 = tpu.memref_slice %arg9[%dma_start3A_38, %dma_start3A_40, %dma_start3A_41] : memref<4x64x128xf32, #tpu.memory_space<vmem>> -> memref<1x64x128xf32, #tpu.memory_space<vmem>>
    %dma_start3A_43 = tpu.memref_squeeze %dma_start3A_42 : memref<1x64x128xf32, #tpu.memory_space<vmem>> -> memref<64x128xf32, #tpu.memory_space<vmem>>
    %dma_start3A_44 = arith.constant 64 : i32
    %dma_start3A_45 = tpu.memref_slice %arg7[%dma_start3A_44] : memref<512xi32, #tpu.memory_space<vmem>> -> memref<64xi32, #tpu.memory_space<vmem>>
    %dma_start3A_46 = arith.constant 0 : i32
    %dma_start3A_47 = arith.constant 0 : i32
    %dma_start3A_48 = tpu.memref_slice %arg4[%dma_start3A_46, %dma_start3A_47] : memref<100001x128xf32, #tpu.memory_space<hbm>> -> memref<100001x128xf32, #tpu.memory_space<hbm>>
    %dma_start3A_49 = tpu.memref_slice %arg13[%dma_start3A_39] : memref<4x!tpu.dma_semaphore, #tpu.memory_space<semaphore_mem>> -> memref<1x!tpu.dma_semaphore, #tpu.memory_space<semaphore_mem>>
    %dma_start3A_50 = tpu.memref_squeeze %dma_start3A_49 : memref<1x!tpu.dma_semaphore, #tpu.memory_space<semaphore_mem>> -> memref<!tpu.dma_semaphore, #tpu.memory_space<semaphore_mem>>
    tpu.enqueue_indirect_dma source(%dma_start3A_48 : memref<100001x128xf32, #tpu.memory_space<hbm>>) target(%dma_start3A_43 : memref<64x128xf32, #tpu.memory_space<vmem>>) offsets(%dma_start3A_45 : memref<64xi32, #tpu.memory_space<vmem>>) semaphore(%dma_start3A_50 : memref<!tpu.dma_semaphore, #tpu.memory_space<semaphore_mem>>)
    %dma_start3A_51 = arith.constant 1 : i32
    %dma_start3A_52 = arith.constant 1 : i32
    %dma_start3A_53 = arith.constant 0 : i32
    %dma_start3A_54 = arith.constant 0 : i32
    %dma_start3A_55 = tpu.memref_slice %arg10[%dma_start3A_51, %dma_start3A_53, %dma_start3A_54] : memref<4x64x128xf32, #tpu.memory_space<vmem>> -> memref<1x64x128xf32, #tpu.memory_space<vmem>>
    %dma_start3A_56 = tpu.memref_squeeze %dma_start3A_55 : memref<1x64x128xf32, #tpu.memory_space<vmem>> -> memref<64x128xf32, #tpu.memory_space<vmem>>
    %dma_start3A_57 = arith.constant 64 : i32
    %dma_start3A_58 = tpu.memref_slice %arg8[%dma_start3A_57] : memref<512xi32, #tpu.memory_space<vmem>> -> memref<64xi32, #tpu.memory_space<vmem>>
    %dma_start3A_59 = arith.constant 0 : i32
    %dma_start3A_60 = arith.constant 0 : i32
    %dma_start3A_61 = tpu.memref_slice %arg5[%dma_start3A_59, %dma_start3A_60] : memref<100001x128xf32, #tpu.memory_space<hbm>> -> memref<100001x128xf32, #tpu.memory_space<hbm>>
    %dma_start3A_62 = tpu.memref_slice %arg13[%dma_start3A_52] : memref<4x!tpu.dma_semaphore, #tpu.memory_space<semaphore_mem>> -> memref<1x!tpu.dma_semaphore, #tpu.memory_space<semaphore_mem>>
    %dma_start3A_63 = tpu.memref_squeeze %dma_start3A_62 : memref<1x!tpu.dma_semaphore, #tpu.memory_space<semaphore_mem>> -> memref<!tpu.dma_semaphore, #tpu.memory_space<semaphore_mem>>
    tpu.enqueue_indirect_dma source(%dma_start3A_61 : memref<100001x128xf32, #tpu.memory_space<hbm>>) target(%dma_start3A_56 : memref<64x128xf32, #tpu.memory_space<vmem>>) offsets(%dma_start3A_58 : memref<64xi32, #tpu.memory_space<vmem>>) semaphore(%dma_start3A_63 : memref<!tpu.dma_semaphore, #tpu.memory_space<semaphore_mem>>)
    %dma_start3A_64 = arith.constant 2 : i32
    %dma_start3A_65 = arith.constant 2 : i32
    %dma_start3A_66 = arith.constant 0 : i32
    %dma_start3A_67 = arith.constant 0 : i32
    %dma_start3A_68 = tpu.memref_slice %arg9[%dma_start3A_64, %dma_start3A_66, %dma_start3A_67] : memref<4x64x128xf32, #tpu.memory_space<vmem>> -> memref<1x64x128xf32, #tpu.memory_space<vmem>>
    %dma_start3A_69 = tpu.memref_squeeze %dma_start3A_68 : memref<1x64x128xf32, #tpu.memory_space<vmem>> -> memref<64x128xf32, #tpu.memory_space<vmem>>
    %dma_start3A_70 = arith.constant 128 : i32
    %dma_start3A_71 = tpu.memref_slice %arg7[%dma_start3A_70] : memref<512xi32, #tpu.memory_space<vmem>> -> memref<64xi32, #tpu.memory_space<vmem>>
    %dma_start3A_72 = arith.constant 0 : i32
    %dma_start3A_73 = arith.constant 0 : i32
    %dma_start3A_74 = tpu.memref_slice %arg4[%dma_start3A_72, %dma_start3A_73] : memref<100001x128xf32, #tpu.memory_space<hbm>> -> memref<100001x128xf32, #tpu.memory_space<hbm>>
    %dma_start3A_75 = tpu.memref_slice %arg13[%dma_start3A_65] : memref<4x!tpu.dma_semaphore, #tpu.memory_space<semaphore_mem>> -> memref<1x!tpu.dma_semaphore, #tpu.memory_space<semaphore_mem>>
    %dma_start3A_76 = tpu.memref_squeeze %dma_start3A_75 : memref<1x!tpu.dma_semaphore, #tpu.memory_space<semaphore_mem>> -> memref<!tpu.dma_semaphore, #tpu.memory_space<semaphore_mem>>
    tpu.enqueue_indirect_dma source(%dma_start3A_74 : memref<100001x128xf32, #tpu.memory_space<hbm>>) target(%dma_start3A_69 : memref<64x128xf32, #tpu.memory_space<vmem>>) offsets(%dma_start3A_71 : memref<64xi32, #tpu.memory_space<vmem>>) semaphore(%dma_start3A_76 : memref<!tpu.dma_semaphore, #tpu.memory_space<semaphore_mem>>)
    %dma_start3A_77 = arith.constant 2 : i32
    %dma_start3A_78 = arith.constant 2 : i32
    %dma_start3A_79 = arith.constant 0 : i32
    %dma_start3A_80 = arith.constant 0 : i32
    %dma_start3A_81 = tpu.memref_slice %arg10[%dma_start3A_77, %dma_start3A_79, %dma_start3A_80] : memref<4x64x128xf32, #tpu.memory_space<vmem>> -> memref<1x64x128xf32, #tpu.memory_space<vmem>>
    %dma_start3A_82 = tpu.memref_squeeze %dma_start3A_81 : memref<1x64x128xf32, #tpu.memory_space<vmem>> -> memref<64x128xf32, #tpu.memory_space<vmem>>
    %dma_start3A_83 = arith.constant 128 : i32
    %dma_start3A_84 = tpu.memref_slice %arg8[%dma_start3A_83] : memref<512xi32, #tpu.memory_space<vmem>> -> memref<64xi32, #tpu.memory_space<vmem>>
    %dma_start3A_85 = arith.constant 0 : i32
    %dma_start3A_86 = arith.constant 0 : i32
    %dma_start3A_87 = tpu.memref_slice %arg5[%dma_start3A_85, %dma_start3A_86] : memref<100001x128xf32, #tpu.memory_space<hbm>> -> memref<100001x128xf32, #tpu.memory_space<hbm>>
    %dma_start3A_88 = tpu.memref_slice %arg13[%dma_start3A_78] : memref<4x!tpu.dma_semaphore, #tpu.memory_space<semaphore_mem>> -> memref<1x!tpu.dma_semaphore, #tpu.memory_space<semaphore_mem>>
    %dma_start3A_89 = tpu.memref_squeeze %dma_start3A_88 : memref<1x!tpu.dma_semaphore, #tpu.memory_space<semaphore_mem>> -> memref<!tpu.dma_semaphore, #tpu.memory_space<semaphore_mem>>
    tpu.enqueue_indirect_dma source(%dma_start3A_87 : memref<100001x128xf32, #tpu.memory_space<hbm>>) target(%dma_start3A_82 : memref<64x128xf32, #tpu.memory_space<vmem>>) offsets(%dma_start3A_84 : memref<64xi32, #tpu.memory_space<vmem>>) semaphore(%dma_start3A_89 : memref<!tpu.dma_semaphore, #tpu.memory_space<semaphore_mem>>)
    %dma_start3A_90 = arith.constant 3 : i32
    %dma_start3A_91 = arith.constant 3 : i32
    %dma_start3A_92 = arith.constant 0 : i32
    %dma_start3A_93 = arith.constant 0 : i32
    %dma_start3A_94 = tpu.memref_slice %arg9[%dma_start3A_90, %dma_start3A_92, %dma_start3A_93] : memref<4x64x128xf32, #tpu.memory_space<vmem>> -> memref<1x64x128xf32, #tpu.memory_space<vmem>>
    %dma_start3A_95 = tpu.memref_squeeze %dma_start3A_94 : memref<1x64x128xf32, #tpu.memory_space<vmem>> -> memref<64x128xf32, #tpu.memory_space<vmem>>
    %dma_start3A_96 = arith.constant 192 : i32
    %dma_start3A_97 = tpu.memref_slice %arg7[%dma_start3A_96] : memref<512xi32, #tpu.memory_space<vmem>> -> memref<64xi32, #tpu.memory_space<vmem>>
    %dma_start3A_98 = arith.constant 0 : i32
    %dma_start3A_99 = arith.constant 0 : i32
    %dma_start3A_100 = tpu.memref_slice %arg4[%dma_start3A_98, %dma_start3A_99] : memref<100001x128xf32, #tpu.memory_space<hbm>> -> memref<100001x128xf32, #tpu.memory_space<hbm>>
    %dma_start3A_101 = tpu.memref_slice %arg13[%dma_start3A_91] : memref<4x!tpu.dma_semaphore, #tpu.memory_space<semaphore_mem>> -> memref<1x!tpu.dma_semaphore, #tpu.memory_space<semaphore_mem>>
    %dma_start3A_102 = tpu.memref_squeeze %dma_start3A_101 : memref<1x!tpu.dma_semaphore, #tpu.memory_space<semaphore_mem>> -> memref<!tpu.dma_semaphore, #tpu.memory_space<semaphore_mem>>
    tpu.enqueue_indirect_dma source(%dma_start3A_100 : memref<100001x128xf32, #tpu.memory_space<hbm>>) target(%dma_start3A_95 : memref<64x128xf32, #tpu.memory_space<vmem>>) offsets(%dma_start3A_97 : memref<64xi32, #tpu.memory_space<vmem>>) semaphore(%dma_start3A_102 : memref<!tpu.dma_semaphore, #tpu.memory_space<semaphore_mem>>)
    %dma_start3A_103 = arith.constant 3 : i32
    %dma_start3A_104 = arith.constant 3 : i32
    %dma_start3A_105 = arith.constant 0 : i32
    %dma_start3A_106 = arith.constant 0 : i32
    %dma_start3A_107 = tpu.memref_slice %arg10[%dma_start3A_103, %dma_start3A_105, %dma_start3A_106] : memref<4x64x128xf32, #tpu.memory_space<vmem>> -> memref<1x64x128xf32, #tpu.memory_space<vmem>>
    %dma_start3A_108 = tpu.memref_squeeze %dma_start3A_107 : memref<1x64x128xf32, #tpu.memory_space<vmem>> -> memref<64x128xf32, #tpu.memory_space<vmem>>
    %dma_start3A_109 = arith.constant 192 : i32
    %dma_start3A_110 = tpu.memref_slice %arg8[%dma_start3A_109] : memref<512xi32, #tpu.memory_space<vmem>> -> memref<64xi32, #tpu.memory_space<vmem>>
    %dma_start3A_111 = arith.constant 0 : i32
    %dma_start3A_112 = arith.constant 0 : i32
    %dma_start3A_113 = tpu.memref_slice %arg5[%dma_start3A_111, %dma_start3A_112] : memref<100001x128xf32, #tpu.memory_space<hbm>> -> memref<100001x128xf32, #tpu.memory_space<hbm>>
    %dma_start3A_114 = tpu.memref_slice %arg13[%dma_start3A_104] : memref<4x!tpu.dma_semaphore, #tpu.memory_space<semaphore_mem>> -> memref<1x!tpu.dma_semaphore, #tpu.memory_space<semaphore_mem>>
    %dma_start3A_115 = tpu.memref_squeeze %dma_start3A_114 : memref<1x!tpu.dma_semaphore, #tpu.memory_space<semaphore_mem>> -> memref<!tpu.dma_semaphore, #tpu.memory_space<semaphore_mem>>
    tpu.enqueue_indirect_dma source(%dma_start3A_113 : memref<100001x128xf32, #tpu.memory_space<hbm>>) target(%dma_start3A_108 : memref<64x128xf32, #tpu.memory_space<vmem>>) offsets(%dma_start3A_110 : memref<64xi32, #tpu.memory_space<vmem>>) semaphore(%dma_start3A_115 : memref<!tpu.dma_semaphore, #tpu.memory_space<semaphore_mem>>)
    %scan3A = arith.constant 0 : i32
    %scan3A_116 = arith.constant 0 : i32
    %scan3A_117 = arith.constant 8 : i32
    %scan3A_118 = arith.addi %scan3A_116, %scan3A_117 : i32
    %scan3A_119 = arith.constant 1 : i32
    scf.for %scan3A_121 = %scan3A_116 to %scan3A_118 step %scan3A_119  : i32 {
      %rem3A = arith.constant 4 : i32
      %rem3A_122 = arith.remsi %scan3A_121, %rem3A : i32
      %mul3A_123 = arith.constant 64 : i32
      %mul3A_124 = arith.muli %scan3A_121, %mul3A_123 : i32
      %dma_wait3A_125 = arith.constant 0 : i32
      %dma_wait3A_126 = arith.constant 0 : i32
      %dma_wait3A_127 = tpu.memref_slice %arg9[%rem3A_122, %dma_wait3A_125, %dma_wait3A_126] : memref<4x64x128xf32, #tpu.memory_space<vmem>> -> memref<1x64x128xf32, #tpu.memory_space<vmem>>
      %dma_wait3A_128 = tpu.memref_squeeze %dma_wait3A_127 : memref<1x64x128xf32, #tpu.memory_space<vmem>> -> memref<64x128xf32, #tpu.memory_space<vmem>>
      %dma_wait3A_129 = tpu.memref_slice %arg7[%mul3A_124] : memref<512xi32, #tpu.memory_space<vmem>> -> memref<64xi32, #tpu.memory_space<vmem>>
      %dma_wait3A_130 = arith.constant 0 : i32
      %dma_wait3A_131 = arith.constant 0 : i32
      %dma_wait3A_132 = tpu.memref_slice %arg4[%dma_wait3A_130, %dma_wait3A_131] : memref<100001x128xf32, #tpu.memory_space<hbm>> -> memref<100001x128xf32, #tpu.memory_space<hbm>>
      %dma_wait3A_133 = tpu.memref_slice %arg13[%rem3A_122] : memref<4x!tpu.dma_semaphore, #tpu.memory_space<semaphore_mem>> -> memref<1x!tpu.dma_semaphore, #tpu.memory_space<semaphore_mem>>
      %dma_wait3A_134 = tpu.memref_squeeze %dma_wait3A_133 : memref<1x!tpu.dma_semaphore, #tpu.memory_space<semaphore_mem>> -> memref<!tpu.dma_semaphore, #tpu.memory_space<semaphore_mem>>
      tpu.wait_indirect_dma semaphore(%dma_wait3A_134 : memref<!tpu.dma_semaphore, #tpu.memory_space<semaphore_mem>>) src(%dma_wait3A_132 : memref<100001x128xf32, #tpu.memory_space<hbm>>) dst(%dma_wait3A_128 : memref<64x128xf32, #tpu.memory_space<vmem>>)
      %mul3A_135 = arith.constant 64 : i32
      %mul3A_136 = arith.muli %scan3A_121, %mul3A_135 : i32
      %dma_wait3A_137 = arith.constant 0 : i32
      %dma_wait3A_138 = arith.constant 0 : i32
      %dma_wait3A_139 = tpu.memref_slice %arg10[%rem3A_122, %dma_wait3A_137, %dma_wait3A_138] : memref<4x64x128xf32, #tpu.memory_space<vmem>> -> memref<1x64x128xf32, #tpu.memory_space<vmem>>
      %dma_wait3A_140 = tpu.memref_squeeze %dma_wait3A_139 : memref<1x64x128xf32, #tpu.memory_space<vmem>> -> memref<64x128xf32, #tpu.memory_space<vmem>>
      %dma_wait3A_141 = tpu.memref_slice %arg8[%mul3A_136] : memref<512xi32, #tpu.memory_space<vmem>> -> memref<64xi32, #tpu.memory_space<vmem>>
      %dma_wait3A_142 = arith.constant 0 : i32
      %dma_wait3A_143 = arith.constant 0 : i32
      %dma_wait3A_144 = tpu.memref_slice %arg5[%dma_wait3A_142, %dma_wait3A_143] : memref<100001x128xf32, #tpu.memory_space<hbm>> -> memref<100001x128xf32, #tpu.memory_space<hbm>>
      %dma_wait3A_145 = tpu.memref_slice %arg13[%rem3A_122] : memref<4x!tpu.dma_semaphore, #tpu.memory_space<semaphore_mem>> -> memref<1x!tpu.dma_semaphore, #tpu.memory_space<semaphore_mem>>
      %dma_wait3A_146 = tpu.memref_squeeze %dma_wait3A_145 : memref<1x!tpu.dma_semaphore, #tpu.memory_space<semaphore_mem>> -> memref<!tpu.dma_semaphore, #tpu.memory_space<semaphore_mem>>
      tpu.wait_indirect_dma semaphore(%dma_wait3A_146 : memref<!tpu.dma_semaphore, #tpu.memory_space<semaphore_mem>>) src(%dma_wait3A_144 : memref<100001x128xf32, #tpu.memory_space<hbm>>) dst(%dma_wait3A_140 : memref<64x128xf32, #tpu.memory_space<vmem>>)
      %scan3A_147 = arith.constant 0 : i32
      %scan3A_148 = arith.constant 0 : i32
      %scan3A_149 = arith.constant 4 : i32
      %scan3A_150 = arith.addi %scan3A_148, %scan3A_149 : i32
      %scan3A_151 = arith.constant 1 : i32
      scf.for %scan3A_157 = %scan3A_148 to %scan3A_150 step %scan3A_151  : i32 {
        %scan3A_158 = arith.constant 0 : i32
        %scan3A_159 = arith.constant 0 : i32
        %scan3A_160 = arith.constant 8 : i32
        %scan3A_161 = arith.addi %scan3A_159, %scan3A_160 : i32
        %scan3A_162 = arith.constant 1 : i32
        scf.for %scan3A_218 = %scan3A_159 to %scan3A_161 step %scan3A_162  : i32 {
          %mul3A_219 = arith.constant 2 : i32
          %mul3A_220 = arith.muli %mul3A_219, %scan3A_218 : i32
          %add3A_221 = arith.constant 0 : i32
          %add3A_222 = arith.addi %mul3A_220, %add3A_221 : i32
          %mul3A_223 = arith.constant 16 : i32
          %mul3A_224 = arith.muli %scan3A_157, %mul3A_223 : i32
          %add3A_225 = arith.addi %mul3A_224, %add3A_222 : i32
          %broadcast_in_dim3A_226 = arith.constant 0.000000e+00 : f32
          %broadcast_in_dim3A_227 = vector.broadcast %broadcast_in_dim3A_226 : f32 to vector<16xf32>
          %get3A_228 = arith.index_cast %rem3A_122 : i32 to index
          %get3A_229 = arith.index_cast %add3A_225 : i32 to index
          %get3A_230 = arith.constant 0 : index
          %get3A_231 = tpu.vector_load %arg9[%get3A_228, %get3A_229, %get3A_230] {strides = array<i32>} : memref<4x64x128xf32, #tpu.memory_space<vmem>>, vector<16xf32>,
          %get3A_232 = arith.index_cast %rem3A_122 : i32 to index
          %get3A_233 = arith.index_cast %add3A_225 : i32 to index
          %get3A_234 = arith.constant 0 : index
          %get3A_235 = tpu.vector_load %arg10[%get3A_232, %get3A_233, %get3A_234] {strides = array<i32>} : memref<4x64x128xf32, #tpu.memory_space<vmem>>, vector<16xf32>,
          %mul3A_236 = arith.mulf %get3A_231, %get3A_235 : vector<16xf32>
          %add3A_237 = arith.addf %broadcast_in_dim3A_227, %mul3A_236 : vector<16xf32>
          %get3A_238 = arith.index_cast %rem3A_122 : i32 to index
          %get3A_239 = arith.index_cast %add3A_225 : i32 to index
          %get3A_240 = arith.constant 16 : index
          %get3A_241 = tpu.vector_load %arg9[%get3A_238, %get3A_239, %get3A_240] {strides = array<i32>} : memref<4x64x128xf32, #tpu.memory_space<vmem>>, vector<16xf32>,
          %get3A_242 = arith.index_cast %rem3A_122 : i32 to index
          %get3A_243 = arith.index_cast %add3A_225 : i32 to index
          %get3A_244 = arith.constant 16 : index
          %get3A_245 = tpu.vector_load %arg10[%get3A_242, %get3A_243, %get3A_244] {strides = array<i32>} : memref<4x64x128xf32, #tpu.memory_space<vmem>>, vector<16xf32>,
          %mul3A_246 = arith.mulf %get3A_241, %get3A_245 : vector<16xf32>
          %add3A_247 = arith.addf %add3A_237, %mul3A_246 : vector<16xf32>
          %get3A_248 = arith.index_cast %rem3A_122 : i32 to index
          %get3A_249 = arith.index_cast %add3A_225 : i32 to index
          %get3A_250 = arith.constant 32 : index
          %get3A_251 = tpu.vector_load %arg9[%get3A_248, %get3A_249, %get3A_250] {strides = array<i32>} : memref<4x64x128xf32, #tpu.memory_space<vmem>>, vector<16xf32>,
          %get3A_252 = arith.index_cast %rem3A_122 : i32 to index
          %get3A_253 = arith.index_cast %add3A_225 : i32 to index
          %get3A_254 = arith.constant 32 : index
          %get3A_255 = tpu.vector_load %arg10[%get3A_252, %get3A_253, %get3A_254] {strides = array<i32>} : memref<4x64x128xf32, #tpu.memory_space<vmem>>, vector<16xf32>,
          %mul3A_256 = arith.mulf %get3A_251, %get3A_255 : vector<16xf32>
          %add3A_257 = arith.addf %add3A_247, %mul3A_256 : vector<16xf32>
          %get3A_258 = arith.index_cast %rem3A_122 : i32 to index
          %get3A_259 = arith.index_cast %add3A_225 : i32 to index
          %get3A_260 = arith.constant 48 : index
          %get3A_261 = tpu.vector_load %arg9[%get3A_258, %get3A_259, %get3A_260] {strides = array<i32>} : memref<4x64x128xf32, #tpu.memory_space<vmem>>, vector<16xf32>,
          %get3A_262 = arith.index_cast %rem3A_122 : i32 to index
          %get3A_263 = arith.index_cast %add3A_225 : i32 to index
          %get3A_264 = arith.constant 48 : index
          %get3A_265 = tpu.vector_load %arg10[%get3A_262, %get3A_263, %get3A_264] {strides = array<i32>} : memref<4x64x128xf32, #tpu.memory_space<vmem>>, vector<16xf32>,
          %mul3A_266 = arith.mulf %get3A_261, %get3A_265 : vector<16xf32>
          %add3A_267 = arith.addf %add3A_257, %mul3A_266 : vector<16xf32>
          %get3A_268 = arith.index_cast %rem3A_122 : i32 to index
          %get3A_269 = arith.index_cast %add3A_225 : i32 to index
          %get3A_270 = arith.constant 64 : index
          %get3A_271 = tpu.vector_load %arg9[%get3A_268, %get3A_269, %get3A_270] {strides = array<i32>} : memref<4x64x128xf32, #tpu.memory_space<vmem>>, vector<16xf32>,
          %get3A_272 = arith.index_cast %rem3A_122 : i32 to index
          %get3A_273 = arith.index_cast %add3A_225 : i32 to index
          %get3A_274 = arith.constant 64 : index
          %get3A_275 = tpu.vector_load %arg10[%get3A_272, %get3A_273, %get3A_274] {strides = array<i32>} : memref<4x64x128xf32, #tpu.memory_space<vmem>>, vector<16xf32>,
          %mul3A_276 = arith.mulf %get3A_271, %get3A_275 : vector<16xf32>
          %add3A_277 = arith.addf %add3A_267, %mul3A_276 : vector<16xf32>
          %get3A_278 = arith.index_cast %rem3A_122 : i32 to index
          %get3A_279 = arith.index_cast %add3A_225 : i32 to index
          %get3A_280 = arith.constant 80 : index
          %get3A_281 = tpu.vector_load %arg9[%get3A_278, %get3A_279, %get3A_280] {strides = array<i32>} : memref<4x64x128xf32, #tpu.memory_space<vmem>>, vector<16xf32>,
          %get3A_282 = arith.index_cast %rem3A_122 : i32 to index
          %get3A_283 = arith.index_cast %add3A_225 : i32 to index
          %get3A_284 = arith.constant 80 : index
          %get3A_285 = tpu.vector_load %arg10[%get3A_282, %get3A_283, %get3A_284] {strides = array<i32>} : memref<4x64x128xf32, #tpu.memory_space<vmem>>, vector<16xf32>,
          %mul3A_286 = arith.mulf %get3A_281, %get3A_285 : vector<16xf32>
          %add3A_287 = arith.addf %add3A_277, %mul3A_286 : vector<16xf32>
          %get3A_288 = arith.index_cast %rem3A_122 : i32 to index
          %get3A_289 = arith.index_cast %add3A_225 : i32 to index
          %get3A_290 = arith.constant 96 : index
          %get3A_291 = tpu.vector_load %arg9[%get3A_288, %get3A_289, %get3A_290] {strides = array<i32>} : memref<4x64x128xf32, #tpu.memory_space<vmem>>, vector<16xf32>,
          %get3A_292 = arith.index_cast %rem3A_122 : i32 to index
          %get3A_293 = arith.index_cast %add3A_225 : i32 to index
          %get3A_294 = arith.constant 96 : index
          %get3A_295 = tpu.vector_load %arg10[%get3A_292, %get3A_293, %get3A_294] {strides = array<i32>} : memref<4x64x128xf32, #tpu.memory_space<vmem>>, vector<16xf32>,
          %mul3A_296 = arith.mulf %get3A_291, %get3A_295 : vector<16xf32>
          %add3A_297 = arith.addf %add3A_287, %mul3A_296 : vector<16xf32>
          %get3A_298 = arith.index_cast %rem3A_122 : i32 to index
          %get3A_299 = arith.index_cast %add3A_225 : i32 to index
          %get3A_300 = arith.constant 112 : index
          %get3A_301 = tpu.vector_load %arg9[%get3A_298, %get3A_299, %get3A_300] {strides = array<i32>} : memref<4x64x128xf32, #tpu.memory_space<vmem>>, vector<16xf32>,
          %get3A_302 = arith.index_cast %rem3A_122 : i32 to index
          %get3A_303 = arith.index_cast %add3A_225 : i32 to index
          %get3A_304 = arith.constant 112 : index
          %get3A_305 = tpu.vector_load %arg10[%get3A_302, %get3A_303, %get3A_304] {strides = array<i32>} : memref<4x64x128xf32, #tpu.memory_space<vmem>>, vector<16xf32>,
          %mul3A_306 = arith.mulf %get3A_301, %get3A_305 : vector<16xf32>
          %add3A_307 = arith.addf %add3A_297, %mul3A_306 : vector<16xf32>
          %add3A_308 = vector.broadcast %add3A_222 : i32 to vector<16xi32>
          %add3A_309 = arith.addi %mul3A_11, %add3A_308 : vector<16xi32>
          tpu.vector_store_idx %arg11[%add3A_309], %add3A_307 : memref<272xf32, #tpu.memory_space<vmem>>[vector<16xi32>], vector<16xf32>,
          %mul3A_310 = arith.constant 2 : i32
          %mul3A_311 = arith.muli %mul3A_310, %scan3A_218 : i32
          %add3A_312 = arith.constant 1 : i32
          %add3A_313 = arith.addi %mul3A_311, %add3A_312 : i32
          %mul3A_314 = arith.constant 16 : i32
          %mul3A_315 = arith.muli %scan3A_157, %mul3A_314 : i32
          %add3A_316 = arith.addi %mul3A_315, %add3A_313 : i32
          %broadcast_in_dim3A_317 = arith.constant 0.000000e+00 : f32
          %broadcast_in_dim3A_318 = vector.broadcast %broadcast_in_dim3A_317 : f32 to vector<16xf32>
          %get3A_319 = arith.index_cast %rem3A_122 : i32 to index
          %get3A_320 = arith.index_cast %add3A_316 : i32 to index
          %get3A_321 = arith.constant 0 : index
          %get3A_322 = tpu.vector_load %arg9[%get3A_319, %get3A_320, %get3A_321] {strides = array<i32>} : memref<4x64x128xf32, #tpu.memory_space<vmem>>, vector<16xf32>,
          %get3A_323 = arith.index_cast %rem3A_122 : i32 to index
          %get3A_324 = arith.index_cast %add3A_316 : i32 to index
          %get3A_325 = arith.constant 0 : index
          %get3A_326 = tpu.vector_load %arg10[%get3A_323, %get3A_324, %get3A_325] {strides = array<i32>} : memref<4x64x128xf32, #tpu.memory_space<vmem>>, vector<16xf32>,
          %mul3A_327 = arith.mulf %get3A_322, %get3A_326 : vector<16xf32>
          %add3A_328 = arith.addf %broadcast_in_dim3A_318, %mul3A_327 : vector<16xf32>
          %get3A_329 = arith.index_cast %rem3A_122 : i32 to index
          %get3A_330 = arith.index_cast %add3A_316 : i32 to index
          %get3A_331 = arith.constant 16 : index
          %get3A_332 = tpu.vector_load %arg9[%get3A_329, %get3A_330, %get3A_331] {strides = array<i32>} : memref<4x64x128xf32, #tpu.memory_space<vmem>>, vector<16xf32>,
          %get3A_333 = arith.index_cast %rem3A_122 : i32 to index
          %get3A_334 = arith.index_cast %add3A_316 : i32 to index
          %get3A_335 = arith.constant 16 : index
          %get3A_336 = tpu.vector_load %arg10[%get3A_333, %get3A_334, %get3A_335] {strides = array<i32>} : memref<4x64x128xf32, #tpu.memory_space<vmem>>, vector<16xf32>,
          %mul3A_337 = arith.mulf %get3A_332, %get3A_336 : vector<16xf32>
          %add3A_338 = arith.addf %add3A_328, %mul3A_337 : vector<16xf32>
          %get3A_339 = arith.index_cast %rem3A_122 : i32 to index
          %get3A_340 = arith.index_cast %add3A_316 : i32 to index
          %get3A_341 = arith.constant 32 : index
          %get3A_342 = tpu.vector_load %arg9[%get3A_339, %get3A_340, %get3A_341] {strides = array<i32>} : memref<4x64x128xf32, #tpu.memory_space<vmem>>, vector<16xf32>,
          %get3A_343 = arith.index_cast %rem3A_122 : i32 to index
          %get3A_344 = arith.index_cast %add3A_316 : i32 to index
          %get3A_345 = arith.constant 32 : index
          %get3A_346 = tpu.vector_load %arg10[%get3A_343, %get3A_344, %get3A_345] {strides = array<i32>} : memref<4x64x128xf32, #tpu.memory_space<vmem>>, vector<16xf32>,
          %mul3A_347 = arith.mulf %get3A_342, %get3A_346 : vector<16xf32>
          %add3A_348 = arith.addf %add3A_338, %mul3A_347 : vector<16xf32>
          %get3A_349 = arith.index_cast %rem3A_122 : i32 to index
          %get3A_350 = arith.index_cast %add3A_316 : i32 to index
          %get3A_351 = arith.constant 48 : index
          %get3A_352 = tpu.vector_load %arg9[%get3A_349, %get3A_350, %get3A_351] {strides = array<i32>} : memref<4x64x128xf32, #tpu.memory_space<vmem>>, vector<16xf32>,
          %get3A_353 = arith.index_cast %rem3A_122 : i32 to index
          %get3A_354 = arith.index_cast %add3A_316 : i32 to index
          %get3A_355 = arith.constant 48 : index
          %get3A_356 = tpu.vector_load %arg10[%get3A_353, %get3A_354, %get3A_355] {strides = array<i32>} : memref<4x64x128xf32, #tpu.memory_space<vmem>>, vector<16xf32>,
          %mul3A_357 = arith.mulf %get3A_352, %get3A_356 : vector<16xf32>
          %add3A_358 = arith.addf %add3A_348, %mul3A_357 : vector<16xf32>
          %get3A_359 = arith.index_cast %rem3A_122 : i32 to index
          %get3A_360 = arith.index_cast %add3A_316 : i32 to index
          %get3A_361 = arith.constant 64 : index
          %get3A_362 = tpu.vector_load %arg9[%get3A_359, %get3A_360, %get3A_361] {strides = array<i32>} : memref<4x64x128xf32, #tpu.memory_space<vmem>>, vector<16xf32>,
          %get3A_363 = arith.index_cast %rem3A_122 : i32 to index
          %get3A_364 = arith.index_cast %add3A_316 : i32 to index
          %get3A_365 = arith.constant 64 : index
          %get3A_366 = tpu.vector_load %arg10[%get3A_363, %get3A_364, %get3A_365] {strides = array<i32>} : memref<4x64x128xf32, #tpu.memory_space<vmem>>, vector<16xf32>,
          %mul3A_367 = arith.mulf %get3A_362, %get3A_366 : vector<16xf32>
          %add3A_368 = arith.addf %add3A_358, %mul3A_367 : vector<16xf32>
          %get3A_369 = arith.index_cast %rem3A_122 : i32 to index
          %get3A_370 = arith.index_cast %add3A_316 : i32 to index
          %get3A_371 = arith.constant 80 : index
          %get3A_372 = tpu.vector_load %arg9[%get3A_369, %get3A_370, %get3A_371] {strides = array<i32>} : memref<4x64x128xf32, #tpu.memory_space<vmem>>, vector<16xf32>,
          %get3A_373 = arith.index_cast %rem3A_122 : i32 to index
          %get3A_374 = arith.index_cast %add3A_316 : i32 to index
          %get3A_375 = arith.constant 80 : index
          %get3A_376 = tpu.vector_load %arg10[%get3A_373, %get3A_374, %get3A_375] {strides = array<i32>} : memref<4x64x128xf32, #tpu.memory_space<vmem>>, vector<16xf32>,
          %mul3A_377 = arith.mulf %get3A_372, %get3A_376 : vector<16xf32>
          %add3A_378 = arith.addf %add3A_368, %mul3A_377 : vector<16xf32>
          %get3A_379 = arith.index_cast %rem3A_122 : i32 to index
          %get3A_380 = arith.index_cast %add3A_316 : i32 to index
          %get3A_381 = arith.constant 96 : index
          %get3A_382 = tpu.vector_load %arg9[%get3A_379, %get3A_380, %get3A_381] {strides = array<i32>} : memref<4x64x128xf32, #tpu.memory_space<vmem>>, vector<16xf32>,
          %get3A_383 = arith.index_cast %rem3A_122 : i32 to index
          %get3A_384 = arith.index_cast %add3A_316 : i32 to index
          %get3A_385 = arith.constant 96 : index
          %get3A_386 = tpu.vector_load %arg10[%get3A_383, %get3A_384, %get3A_385] {strides = array<i32>} : memref<4x64x128xf32, #tpu.memory_space<vmem>>, vector<16xf32>,
          %mul3A_387 = arith.mulf %get3A_382, %get3A_386 : vector<16xf32>
          %add3A_388 = arith.addf %add3A_378, %mul3A_387 : vector<16xf32>
          %get3A_389 = arith.index_cast %rem3A_122 : i32 to index
          %get3A_390 = arith.index_cast %add3A_316 : i32 to index
          %get3A_391 = arith.constant 112 : index
          %get3A_392 = tpu.vector_load %arg9[%get3A_389, %get3A_390, %get3A_391] {strides = array<i32>} : memref<4x64x128xf32, #tpu.memory_space<vmem>>, vector<16xf32>,
          %get3A_393 = arith.index_cast %rem3A_122 : i32 to index
          %get3A_394 = arith.index_cast %add3A_316 : i32 to index
          %get3A_395 = arith.constant 112 : index
          %get3A_396 = tpu.vector_load %arg10[%get3A_393, %get3A_394, %get3A_395] {strides = array<i32>} : memref<4x64x128xf32, #tpu.memory_space<vmem>>, vector<16xf32>,
          %mul3A_397 = arith.mulf %get3A_392, %get3A_396 : vector<16xf32>
          %add3A_398 = arith.addf %add3A_388, %mul3A_397 : vector<16xf32>
          %add3A_399 = vector.broadcast %add3A_313 : i32 to vector<16xi32>
          %add3A_400 = arith.addi %mul3A_11, %add3A_399 : vector<16xi32>
          tpu.vector_store_idx %arg11[%add3A_400], %add3A_398 : memref<272xf32, #tpu.memory_space<vmem>>[vector<16xi32>], vector<16xf32>,
        }
        %scan3A_163 = arith.constant 8 : i32
        %broadcast_in_dim3A = arith.constant 0.000000e+00 : f32
        %broadcast_in_dim3A_164 = vector.broadcast %broadcast_in_dim3A : f32 to vector<16xf32>
        %get3A = arith.constant 0 : index
        %get3A_165 = tpu.vector_load %arg11[%get3A] {strides = array<i32>} : memref<272xf32, #tpu.memory_space<vmem>>, vector<16xf32>,
        %add3A_166 = arith.addf %broadcast_in_dim3A_164, %get3A_165 : vector<16xf32>
        %get3A_167 = arith.constant 17 : index
        %get3A_168 = tpu.vector_load %arg11[%get3A_167] {strides = array<i32>} : memref<272xf32, #tpu.memory_space<vmem>>, vector<16xf32>,
        %add3A_169 = arith.addf %add3A_166, %get3A_168 : vector<16xf32>
        %get3A_170 = arith.constant 34 : index
        %get3A_171 = tpu.vector_load %arg11[%get3A_170] {strides = array<i32>} : memref<272xf32, #tpu.memory_space<vmem>>, vector<16xf32>,
        %add3A_172 = arith.addf %add3A_169, %get3A_171 : vector<16xf32>
        %get3A_173 = arith.constant 51 : index
        %get3A_174 = tpu.vector_load %arg11[%get3A_173] {strides = array<i32>} : memref<272xf32, #tpu.memory_space<vmem>>, vector<16xf32>,
        %add3A_175 = arith.addf %add3A_172, %get3A_174 : vector<16xf32>
        %get3A_176 = arith.constant 68 : index
        %get3A_177 = tpu.vector_load %arg11[%get3A_176] {strides = array<i32>} : memref<272xf32, #tpu.memory_space<vmem>>, vector<16xf32>,
        %add3A_178 = arith.addf %add3A_175, %get3A_177 : vector<16xf32>
        %get3A_179 = arith.constant 85 : index
        %get3A_180 = tpu.vector_load %arg11[%get3A_179] {strides = array<i32>} : memref<272xf32, #tpu.memory_space<vmem>>, vector<16xf32>,
        %add3A_181 = arith.addf %add3A_178, %get3A_180 : vector<16xf32>
        %get3A_182 = arith.constant 102 : index
        %get3A_183 = tpu.vector_load %arg11[%get3A_182] {strides = array<i32>} : memref<272xf32, #tpu.memory_space<vmem>>, vector<16xf32>,
        %add3A_184 = arith.addf %add3A_181, %get3A_183 : vector<16xf32>
        %get3A_185 = arith.constant 119 : index
        %get3A_186 = tpu.vector_load %arg11[%get3A_185] {strides = array<i32>} : memref<272xf32, #tpu.memory_space<vmem>>, vector<16xf32>,
        %add3A_187 = arith.addf %add3A_184, %get3A_186 : vector<16xf32>
        %get3A_188 = arith.constant 136 : index
        %get3A_189 = tpu.vector_load %arg11[%get3A_188] {strides = array<i32>} : memref<272xf32, #tpu.memory_space<vmem>>, vector<16xf32>,
        %add3A_190 = arith.addf %add3A_187, %get3A_189 : vector<16xf32>
        %get3A_191 = arith.constant 153 : index
        %get3A_192 = tpu.vector_load %arg11[%get3A_191] {strides = array<i32>} : memref<272xf32, #tpu.memory_space<vmem>>, vector<16xf32>,
        %add3A_193 = arith.addf %add3A_190, %get3A_192 : vector<16xf32>
        %get3A_194 = arith.constant 170 : index
        %get3A_195 = tpu.vector_load %arg11[%get3A_194] {strides = array<i32>} : memref<272xf32, #tpu.memory_space<vmem>>, vector<16xf32>,
        %add3A_196 = arith.addf %add3A_193, %get3A_195 : vector<16xf32>
        %get3A_197 = arith.constant 187 : index
        %get3A_198 = tpu.vector_load %arg11[%get3A_197] {strides = array<i32>} : memref<272xf32, #tpu.memory_space<vmem>>, vector<16xf32>,
        %add3A_199 = arith.addf %add3A_196, %get3A_198 : vector<16xf32>
        %get3A_200 = arith.constant 204 : index
        %get3A_201 = tpu.vector_load %arg11[%get3A_200] {strides = array<i32>} : memref<272xf32, #tpu.memory_space<vmem>>, vector<16xf32>,
        %add3A_202 = arith.addf %add3A_199, %get3A_201 : vector<16xf32>
        %get3A_203 = arith.constant 221 : index
        %get3A_204 = tpu.vector_load %arg11[%get3A_203] {strides = array<i32>} : memref<272xf32, #tpu.memory_space<vmem>>, vector<16xf32>,
        %add3A_205 = arith.addf %add3A_202, %get3A_204 : vector<16xf32>
        %get3A_206 = arith.constant 238 : index
        %get3A_207 = tpu.vector_load %arg11[%get3A_206] {strides = array<i32>} : memref<272xf32, #tpu.memory_space<vmem>>, vector<16xf32>,
        %add3A_208 = arith.addf %add3A_205, %get3A_207 : vector<16xf32>
        %get3A_209 = arith.constant 255 : index
        %get3A_210 = tpu.vector_load %arg11[%get3A_209] {strides = array<i32>} : memref<272xf32, #tpu.memory_space<vmem>>, vector<16xf32>,
        %add3A_211 = arith.addf %add3A_208, %get3A_210 : vector<16xf32>
        %mul3A_212 = arith.constant 64 : i32
        %mul3A_213 = arith.muli %scan3A_121, %mul3A_212 : i32
        %mul3A_214 = arith.constant 16 : i32
        %mul3A_215 = arith.muli %scan3A_157, %mul3A_214 : i32
        %add3A_216 = arith.addi %mul3A_213, %mul3A_215 : i32
        %swap3A = arith.index_cast %add3A_216 : i32 to index
        %swap3A_217 = tpu.vector_load %arg12[%swap3A] {strides = array<i32>} : memref<512xf32, #tpu.memory_space<vmem>>, vector<16xf32>,
        tpu.vector_store %arg12[%swap3A], %add3A_211 {strides = array<i32>} : memref<512xf32, #tpu.memory_space<vmem>>, vector<16xf32>,
      }
      %scan3A_152 = arith.constant 4 : i32
      %add3A_153 = arith.constant 4 : i32
      %add3A_154 = arith.addi %scan3A_121, %add3A_153 : i32
      %lt3A = arith.constant 8 : i32
      %lt3A_155 = arith.cmpi slt, %add3A_154, %lt3A : i32
      %convert_element_type3A = arith.extui %lt3A_155 : i1 to i32
      %cond3A = arith.constant 0 : i32
      %cond3A_156 = arith.cmpi ne, %convert_element_type3A, %cond3A : i32
      scf.if %cond3A_156 {
        %add3A_157 = arith.constant 4 : i32
        %add3A_158 = arith.addi %scan3A_121, %add3A_157 : i32
        %mul3A_159 = arith.constant 64 : i32
        %mul3A_160 = arith.muli %add3A_158, %mul3A_159 : i32
        %dma_start3A_161 = arith.constant 0 : i32
        %dma_start3A_162 = arith.constant 0 : i32
        %dma_start3A_163 = tpu.memref_slice %arg9[%rem3A_122, %dma_start3A_161, %dma_start3A_162] : memref<4x64x128xf32, #tpu.memory_space<vmem>> -> memref<1x64x128xf32, #tpu.memory_space<vmem>>
        %dma_start3A_164 = tpu.memref_squeeze %dma_start3A_163 : memref<1x64x128xf32, #tpu.memory_space<vmem>> -> memref<64x128xf32, #tpu.memory_space<vmem>>
        %dma_start3A_165 = tpu.memref_slice %arg7[%mul3A_160] : memref<512xi32, #tpu.memory_space<vmem>> -> memref<64xi32, #tpu.memory_space<vmem>>
        %dma_start3A_166 = arith.constant 0 : i32
        %dma_start3A_167 = arith.constant 0 : i32
        %dma_start3A_168 = tpu.memref_slice %arg4[%dma_start3A_166, %dma_start3A_167] : memref<100001x128xf32, #tpu.memory_space<hbm>> -> memref<100001x128xf32, #tpu.memory_space<hbm>>
        %dma_start3A_169 = tpu.memref_slice %arg13[%rem3A_122] : memref<4x!tpu.dma_semaphore, #tpu.memory_space<semaphore_mem>> -> memref<1x!tpu.dma_semaphore, #tpu.memory_space<semaphore_mem>>
        %dma_start3A_170 = tpu.memref_squeeze %dma_start3A_169 : memref<1x!tpu.dma_semaphore, #tpu.memory_space<semaphore_mem>> -> memref<!tpu.dma_semaphore, #tpu.memory_space<semaphore_mem>>
        tpu.enqueue_indirect_dma source(%dma_start3A_168 : memref<100001x128xf32, #tpu.memory_space<hbm>>) target(%dma_start3A_164 : memref<64x128xf32, #tpu.memory_space<vmem>>) offsets(%dma_start3A_165 : memref<64xi32, #tpu.memory_space<vmem>>) semaphore(%dma_start3A_170 : memref<!tpu.dma_semaphore, #tpu.memory_space<semaphore_mem>>)
        %mul3A_171 = arith.constant 64 : i32
        %mul3A_172 = arith.muli %add3A_158, %mul3A_171 : i32
        %dma_start3A_173 = arith.constant 0 : i32
        %dma_start3A_174 = arith.constant 0 : i32
        %dma_start3A_175 = tpu.memref_slice %arg10[%rem3A_122, %dma_start3A_173, %dma_start3A_174] : memref<4x64x128xf32, #tpu.memory_space<vmem>> -> memref<1x64x128xf32, #tpu.memory_space<vmem>>
        %dma_start3A_176 = tpu.memref_squeeze %dma_start3A_175 : memref<1x64x128xf32, #tpu.memory_space<vmem>> -> memref<64x128xf32, #tpu.memory_space<vmem>>
        %dma_start3A_177 = tpu.memref_slice %arg8[%mul3A_172] : memref<512xi32, #tpu.memory_space<vmem>> -> memref<64xi32, #tpu.memory_space<vmem>>
        %dma_start3A_178 = arith.constant 0 : i32
        %dma_start3A_179 = arith.constant 0 : i32
        %dma_start3A_180 = tpu.memref_slice %arg5[%dma_start3A_178, %dma_start3A_179] : memref<100001x128xf32, #tpu.memory_space<hbm>> -> memref<100001x128xf32, #tpu.memory_space<hbm>>
        %dma_start3A_181 = tpu.memref_slice %arg13[%rem3A_122] : memref<4x!tpu.dma_semaphore, #tpu.memory_space<semaphore_mem>> -> memref<1x!tpu.dma_semaphore, #tpu.memory_space<semaphore_mem>>
        %dma_start3A_182 = tpu.memref_squeeze %dma_start3A_181 : memref<1x!tpu.dma_semaphore, #tpu.memory_space<semaphore_mem>> -> memref<!tpu.dma_semaphore, #tpu.memory_space<semaphore_mem>>
        tpu.enqueue_indirect_dma source(%dma_start3A_180 : memref<100001x128xf32, #tpu.memory_space<hbm>>) target(%dma_start3A_176 : memref<64x128xf32, #tpu.memory_space<vmem>>) offsets(%dma_start3A_177 : memref<64xi32, #tpu.memory_space<vmem>>) semaphore(%dma_start3A_182 : memref<!tpu.dma_semaphore, #tpu.memory_space<semaphore_mem>>)
      } else {
      }
    }
    %scan3A_120 = arith.constant 8 : i32
    "tpu.region"() ({
      %run_scoped3A = tpu.sem_alloc : memref<!tpu.dma_semaphore, #tpu.memory_space<semaphore_mem>>
      %dma_start3A_121 = tpu.memref_slice %arg6[%mul3A_2] : memref<16384xf32, #tpu.memory_space<hbm>> -> memref<512xf32, #tpu.memory_space<hbm>>
      %dma_start3A_122 = tpu.memref_slice %arg6[%mul3A_2] : memref<16384xf32, #tpu.memory_space<hbm>> -> memref<512xf32, #tpu.memory_space<hbm>>
      tpu.enqueue_dma source(%arg12 : memref<512xf32, #tpu.memory_space<vmem>>) target(%dma_start3A_122 : memref<512xf32, #tpu.memory_space<hbm>>) target_semaphore(%run_scoped3A : memref<!tpu.dma_semaphore, #tpu.memory_space<semaphore_mem>>)
      %dma_wait3A_123 = tpu.memref_slice %arg6[%mul3A_2] : memref<16384xf32, #tpu.memory_space<hbm>> -> memref<512xf32, #tpu.memory_space<hbm>>
      %dma_wait3A_124 = tpu.memref_slice %arg6[%mul3A_2] : memref<16384xf32, #tpu.memory_space<hbm>> -> memref<512xf32, #tpu.memory_space<hbm>>
      tpu.wait_dma2 semaphore(%run_scoped3A : memref<!tpu.dma_semaphore, #tpu.memory_space<semaphore_mem>>) src(%arg12 : memref<512xf32, #tpu.memory_space<vmem>>) dst(%dma_wait3A_124 : memref<512xf32, #tpu.memory_space<hbm>>)
      tpu.yield
    }) : () -> ()
    return
  }
}

</mosaic_0001>

<sc_bundles>
// kernel: kernel.3.cloned.1.call-start
scs
__scs_entry_jumppad:
0x0: {  	(pc) =	sbr.rel $0x88, $3  }
0x1: {  	(tag) =	ssettag $0x0;
	lr =	simm.s32 $0x1  }
0x2: {  	[smem:$0x3F9D] =	sst lr;
	_ =	strace $0xD0000000  }
0x3: {  	_ = 	snop  }
0x4: {  	_ = 	snop  }
0x5: {  	_ = 	snop  }
0x6: {  	_ = 	snop  }
0x7: {  	_ = 	snop  }
__scs_overlays_trampoline_lowered:
0x8: {  	[smem:$0x3FAC] =	sst s0  }
0x9: {  	[smem:$0x3FAD] =	sst s1  }
0xa: {  	[smem:$0x3FAE] =	sst s2  }
0xb: {  	[smem:$0x3FAF] =	sst s3  }
0xc: {  	[smem:$0x3FB0] =	sst s4  }
0xd: {  	[smem:$0x3FB1] =	sst s5  }
0xe: {  	[smem:$0x3FB2] =	sst s6  }
0xf: {  	[smem:$0x3FB3] =	sst s7  }
0x10: {  	[smem:$0x3FB4] =	sst s8  }
0x11: {  	[smem:$0x3FB5] =	sst s9;
	s0 =	simm.s32 @!p0 $0x0  }
0x12: {  	s1 =	sld [smem:$0x3F9B];
	s0 =	simm.s32 @p0 $0x1  }
0x13: {  	[smem:$0x3FB6] =	sst s0;
	s0 =	simm.s32 @!p1 $0x0  }
0x14: {  	s2 =	sld [smem:$0x3F9A];
	s0 =	simm.s32 @p1 $0x1  }
0x15: {  	[smem:$0x3FB7] =	sst s0;
	s0 =	simm.s32 @!p2 $0x0  }
0x16: {  	s3 =	sld [smem:$0x3FDB];
	s0 =	simm.s32 @p2 $0x1  }
0x17: {  	s4 =	simm.s32 $0x1BF5;
	[smem:$0x3FB9] =	sst s0  }
0x18: {  	s0 =	sld [smem:$0x3F9C];
	_ =	swait.ge [sflag:s4], $0x0  }
0x19: {  	s7 =	sld [smem:$0x3F9D]  }
0x1a: {  	s8 =	sadd.s32 $0xFFFFE003, lr  }
0x1b: {  	s9 =	sadd.s32 $0xFFFFFEF7, lr;
	s5 =	simm.s32 $0xFFFFFFFF;
	p2 =	slt.u32 s8, $0xFFFFF086  }
0x1c: {  	p1 =	slt.u32 s9, $0xF7A;
	s5 =	simm.s32 @!p2 $0x0  }
0x1d: {  	s5 =	simm.s32 @p1 $0x1;
	p0 =	seq.s32 s7, s2  }
0x1e: {  	s7 =	smul.u32 @!p0 $0xF7A, s2;
	p2 =	seq.s32 @!p0 s5, $0x0  }
0x1f: {  	s9 =	smul.u32 $0xF7A, s1;
	s8 =	simm.s32 @!p0 $0x1BF5;
	p2 =	por !p2, p0  }
0x20: {  	[sflag:s8] =	ssyncset.s32 @!p0 $0xFFFFF086;
	s6 =	sadd.s32 @!p0 s3, s7;
	s7 =	simm.s32 @!p0 $0x108  }
0x21: {  	s3 =	sadd.s32 s3, s9;
	s6 =	sadd.s32 @!p0 $0x88, s6;
	s7 =	simm.s32 @p2 $0x1082  }
0x22: {  	[simem:s7], [sflag:s8] =	dma.local @!p0 [hbm:s6], $0xF7A  }
0x23: {  	s9 =	sor.u32 $0xD0000000, s2;
	s6 =	simm.s32 $0x108;
	_ =	swait.ge @!p0 [sflag:s8], $0x0  }
0x24: {  	s3 =	sadd.s32 $0x88, s3;
	s6 =	simm.s32 @!p1 $0x1082;
	[sflag:s4] =	ssyncset.s32 $0xFFFFF086  }
0x25: {  	[simem:s6], [sflag:s4] =	dma.local [hbm:s3], $0xF7A  }
0x26: {  	[smem:$0x3F9D] =	sst s1;
	(tag) =	ssettag s2;
	_ =	strace s9  }
0x27: {  	s1 =	sld [smem:$0x3FAD]  }
0x28: {  	s2 =	sld [smem:$0x3FAE]  }
0x29: {  	s4 =	sld [smem:$0x3FB0]  }
0x2a: {  	p0 =	seq.s32 s5, $0x0;
	s5 =	sld [smem:$0x3FB1]  }
0x2b: {  	s6 =	sld [smem:$0x3FB2]  }
0x2c: {  	s7 =	sld [smem:$0x3FB3]  }
0x2d: {  	s3 =	simm.s32 $0x108;
	s8 =	sld [smem:$0x3FB4]  }
0x2e: {  	s3 =	simm.s32 @!p0 $0x1082;
	s9 =	sld [smem:$0x3FB5]  }
0x2f: {  	lr =	sadd.s32 s0, s3;
	s0 =	sld [smem:$0x3FAC]  }
0x30: {  	s3 =	sld [smem:$0x3FAF]  }
0x31: {  	[smem:$0x3FB8] =	sst s10  }
0x32: {  	s10 =	sld [smem:$0x3FB6];
	_ =	sdelay $0x3  }
0x33: {  	p0 =	seq.s32 s10, $0x1;
	s10 =	sld [smem:$0x3FB8];
	_ =	sdelay $0x3  }
0x34: {  	[smem:$0x3FB8] =	sst s10  }
0x35: {  	s10 =	sld [smem:$0x3FB7];
	_ =	sdelay $0x3  }
0x36: {  	p1 =	seq.s32 s10, $0x1;
	s10 =	sld [smem:$0x3FB8];
	_ =	sdelay $0x3  }
0x37: {  	[smem:$0x3FB8] =	sst s10  }
0x38: {  	s10 =	sld [smem:$0x3FB9]  }
0x39: {  	_ = 	snop;
	(pc) =	sbr.ind lr, $3  }
0x3a: {  	_ = 	snop  }
0x3b: {  	_ = 	snop  }
0x3c: {  	p2 =	seq.s32 s10, $0x1;
	s10 =	sld [smem:$0x3FB8]  }
0x3d: {  	_ =	shalt  }
0x3e: {  	_ =	shalt  }
0x3f: {  	_ =	shalt  }
0x40: {  	_ =	shalt  }
0x41: {  	_ =	shalt  }
0x42: {  	_ =	shalt  }
0x43: {  	_ =	shalt  }
0x44: {  	_ =	shalt  }
0x45: {  	_ =	shalt  }
0x46: {  	_ =	shalt  }
0x47: {  	_ =	shalt  }
0x48: {  	_ =	shalt  }
0x49: {  	_ =	shalt  }
0x4a: {  	_ =	shalt  }
0x4b: {  	_ =	shalt  }
0x4c: {  	_ =	shalt  }
0x4d: {  	_ =	shalt  }
0x4e: {  	_ =	shalt  }
0x4f: {  	_ =	shalt  }
0x50: {  	_ =	shalt  }
0x51: {  	_ =	shalt  }
0x52: {  	_ =	shalt  }
0x53: {  	_ =	shalt  }
0x54: {  	_ =	shalt  }
0x55: {  	_ =	shalt  }
0x56: {  	_ =	shalt  }
0x57: {  	_ =	shalt  }
0x58: {  	_ =	shalt  }
0x59: {  	_ =	shalt  }
0x5a: {  	_ =	shalt  }
0x5b: {  	_ =	shalt  }
0x5c: {  	_ =	shalt  }
0x5d: {  	_ =	shalt  }
0x5e: {  	_ =	shalt  }
0x5f: {  	_ =	shalt  }
0x60: {  	_ =	shalt  }
0x61: {  	_ =	shalt  }
0x62: {  	_ =	shalt  }
0x63: {  	_ =	shalt  }
0x64: {  	_ =	shalt  }
0x65: {  	_ =	shalt  }
0x66: {  	_ =	shalt  }
0x67: {  	_ =	shalt  }
0x68: {  	_ =	shalt  }
0x69: {  	_ =	shalt  }
0x6a: {  	_ =	shalt  }
0x6b: {  	_ =	shalt  }
0x6c: {  	_ =	shalt  }
0x6d: {  	_ =	shalt  }
0x6e: {  	_ =	shalt  }
0x6f: {  	_ =	shalt  }
0x70: {  	_ =	shalt  }
0x71: {  	_ =	shalt  }
0x72: {  	_ =	shalt  }
0x73: {  	_ =	shalt  }
0x74: {  	_ =	shalt  }
0x75: {  	_ =	shalt  }
0x76: {  	_ =	shalt  }
0x77: {  	_ =	shalt  }
0x78: {  	_ =	shalt  }
0x79: {  	_ =	shalt  }
0x7a: {  	_ =	shalt  }
0x7b: {  	_ =	shalt  }
0x7c: {  	_ =	shalt  }
0x7d: {  	_ =	shalt  }
0x7e: {  	_ =	shalt  }
0x7f: {  	_ =	shalt  }
0x80: {  	_ =	shalt  }
0x81: {  	_ =	shalt  }
0x82: {  	_ =	shalt  }
0x83: {  	_ =	shalt  }
0x84: {  	_ =	shalt  }
0x85: {  	_ =	shalt  }
0x86: {  	_ =	shalt  }
0x87: {  	_ =	shalt  }
.Lfunc_end0:
.L_simem_size_0:
called_computation_lowered:
.L_overlay_start_0:
0x88: {  	s2 =	sld [smem:$0x3FD9]  }
0x89: {  	s3 =	sld [smem:$0x3FFE];
	_ =	sdelay $0x1  }
0x8a: {  	s1 =	srdreg.scid  }
0x8b: {  	s0 =	sand.u32 $0x1, s1  }
0x8c: {  	s18 =	sshll.u32 s0, $0xA;
	s2 =	sadd.s32 s3, s2  }
0x8d: {  	s2 =	sadd.s32 s2, s18  }
0x8e: {  	[smem:$0x3FC4] =	sst s2  }
0x8f: {  	_ = 	snop  }
0x90: {  	s2 =	sld [smem:$0x3FC9]  }
0x91: {  	s19 =	sld [smem:$0x3FC8]  }
0x92: {  	s4 =	sld [smem:$0x3FC7]  }
0x93: {  	s5 =	sld [smem:$0x3FC6]  }
0x94: {  	s6 =	sld [smem:$0x3FD0];
	(tm) =	ssettm $0x1  }
0x95: {  	s7 =	sld [smem:$0x3FFB];
	_ =	sdelay $0x3  }
0x96: {  	_ =	strace s7  }
0x97: {  	s7 =	sld [smem:$0x3FFC];
	_ =	sdelay $0x3  }
0x98: {  	_ =	strace s7  }
0x99: {  	s7 =	sld [smem:$0x3FFD];
	_ =	sdelay $0x3  }
0x9a: {  	_ =	strace s7  }
0x9b: {  	_ =	strace $0x8FFFFFFF  }
0x9c: {  	s20 =	sld [smem:$0x3FDB];
	_ =	sdelay $0x1  }
0x9d: {  	s8 =	simm.s32 $_scs_section_size  }
0x9e: {  	s9 =	simm.s32 $_size__tile_overlayer_lowered;
	s10 =	simm.s32 $_tile_overlayer_lowered  }
0x9f: {  	s23 =	simm.s32 $0x1BFF;
	s22 =	sshll.u32 s10, $0x1;
	s7 =	sadd.s32 s8, s20  }
0xa0: {  	s11 =	simm.s32 $0x0;
	s21 =	sshll.u32 s9, $0x1;
	s9 =	sadd.s32 s22, s7  }
0xa1: {  	[timem:s11], [sflag:s23] =	dma.local [hbm:s9], s21  }
0xa2: {  	_ =	swait.ge [sflag:s23], s21  }
0xa3: {  	s8 =	ssub.s32 $0x0, s21;
	[sflag:s23] =	ssyncset.done $0x0  }
0xa4: {  	[sflag:s23] =	ssyncadd.s32 s8;
	_ =	sdelay $0x1  }
0xa5: {  	s24 =	simm.s32 $0x1B8B  }
0xa6: {  	_ =	swait.ge [sflag:s24], $0x1  }
0xa7: {  	[sflag:s24] =	ssyncset.done $0x0  }
0xa8: {  	s25 =	simm.s32 $0x1B8E;
	[sflag:s24] =	ssyncadd.s32 $0xFFFFFFFF  }
0xa9: {  	s26 =	simm.s32 $execute0_lowered;
	[smem:$0x3FD2] =	sst s25  }
0xaa: {  	s8 =	sshll.u32 s26, $0x1;
	_ =	strace $0x80000046;
	[dreg:$0x1] =	wrdreg $0xFFFFFFFF  }
0xab: {  	s28 =	simm.s32 $_size_execute0_lowered;
	s7 =	sadd.s32 s7, s8;
	[dreg:$0x0] =	wrdreg $0x0  }
0xac: {  	s8 =	sshll.u32 s28, $0x1;
	[dreg:$0x2] =	wrdreg s7  }
0xad: {  	[dreg:$0x3] =	wrdreg s8  }
0xae: {  	[dreg:$0x4] =	wrdreg $0xC0  }
0xaf: {  	_ =	task [dreg:s11], $0x5FFFF  }
0xb0: {  	[dreg:$0x1] =	wrdreg $0xFFFFFFFF  }
0xb1: {  	[dreg:$0x0] =	wrdreg $0x60  }
0xb2: {  	[dreg:$0x2] =	wrdreg s2  }
0xb3: {  	[dreg:$0x3] =	wrdreg s19  }
0xb4: {  	[dreg:$0x4] =	wrdreg s4  }
0xb5: {  	[dreg:$0x5] =	wrdreg s5  }
0xb6: {  	[dreg:$0x6] =	wrdreg s6  }
0xb7: {  	[dreg:$0x7] =	wrdreg $0x9  }
0xb8: {  	_ =	task.clear_ibuf [dreg:s11], $0x8FFFF;
	_ =	strace $0x90000046  }
0xb9: {  	s29 =	simm.s32 $0x9;
	_ =	strace $0x80000048  }
0xba: {  	_ =	swait.ge [sflag:s29], $0x1  }
0xbb: {  	[sflag:s29] =	ssyncadd.s32 $0xFFFFFFFF  }
0xbc: {  	_ =	strace $0x90000048  }
0xbd: {  	_ =	sfence  }
0xbe: {  	s30 =	sld [smem:$0x0];
	_ =	sdelay $0x2  }
0xbf: {  	s31 =	sshll.u32 s1, $0xD;
	s1 =	sshrl.u32 s1, $0x2  }
0xc0: {  	s3 =	sand.u32 $0x4000, s31;
	s1 =	sadd.s32 s1, s30  }
0xc1: {  	s0 =	sor.u32 s3, s0;
	s1 =	sshll.u32 s1, $0x11  }
0xc2: {  	s0 =	sor.u32 s1, s0  }
0xc3: {  	s0 =	sadd.s32 $0x8F2B, s0  }
0xc4: {  	[sflag:s0] =	ssyncadd.remote.s32 $0x1  }
0xc5: {  	_ =	sfence.sel $0xFFFF  }
0xc6: {  	[dreg:$0x0] =	wrdreg $0xFFFFFFFF;
	(pc) =	sbr.abs _section_cstart, $3  }
0xc7: {  	[dreg:$0x1] =	wrdreg $0xFFFFFFFF  }
0xc8: {  	_ =	task.clear_ibuf [dreg:s11], $0x2FFFF;
	_ =	strace $0x9FFFFFFF  }
0xc9: {  	(tm) =	ssettm $0x7FFFFFFF  }
tec
execute0_lowered:
.L_overlay_start_1:
0x0: {  	(tag) =	ssettag $0x1  }
0x1: {  	s0 =	rddreg [dreg:$0x0]  }
0x2: {  	s3 =	rddreg [dreg:$0x1]  }
0x3: {  	s1 =	rddreg [dreg:$0x2]  }
0x4: {  	s2 =	rddreg [dreg:$0x3]  }
0x5: {  	s7 =	rddreg [dreg:$0x4];
	s5 =	srdreg.scid;
	s4 =	simm.s32 $0x0  }
0x6: {  	s9 =	stileid.u32;
	s10 =	simm.s32 $0x5;
	s11 =	simm.s32 $0x40  }
0x7: {  	s19 =	simm.s32 $0x280;
	s20 =	simm.s32 $0xC400;
	s21 =	simm.s32 $0xC0  }
0x8: {  	s22 =	simm.s32 $0x6400;
	s23 =	simm.s32 $0x2C0;
	s24 =	simm.s32 $0xE400  }
0x9: {  	s25 =	simm.s32 $0x10400;
	s26 =	simm.s32 $0x10580;
	s28 =	simm.s32 $0x6  }
0xa: {  	s29 =	simm.s32 $0x0;
	s5 =	sand.u32 $0x1, s5;
	[smem:$0x7FF] =	sst s4  }
0xb: {  	s9 =	sshll.u32 s9, $0x7;
	s6 =	ssub.s32 $0x2, s5;
	s5 =	sshll.u32 s5, $0x6  }
0xc: {  	_ =	strace $0x80000047;
	s8 =	sshrl.u32 s6, $0x1;
	s9 =	sor.u32 s5, s9  }
0xd: {  	v0 =	vlaneseq.u32;
	s8 =	ssub.s32 s6, s8;
	s5 =	sadd.s32 s0, s9;
	s6 =	sadd.s32 s3, s9  }
0xe: {  	v0 =	vmul.u32 $0x11, v0;
	s7 =	sadd.s32 s7, s9;
	s9 =	simm.s32 $0x200;
	s8 =	smax.u32 s8, $0x1  }
.LBB2_1:
0xf: {  	[tilespmem:s4], [sflag:$0x5] =	stream.linear.gather [hbm4b:s5+s4], $0x200, $0x38;
	[tilespmem:$0x10780] =	vst v63  }
0x10: {  	_ = 	snop  }
0x11: {  	[tilespmem:s9], [sflag:$0x5] =	stream.linear.gather [hbm4b:s6+s4], $0x200, $0x38;
	[tilespmem:$0x10780] =	vst v63  }
0x12: {  	_ =	swait.ge [sflag:s10], $0x200  }
0x13: {  	[sflag:s10] =	ssyncset.done $0x0  }
0x14: {  	[sflag:s10] =	ssyncadd.s32 $0xFFFFFE00  }
0x15: {  	_ =	swait.ge [sflag:s10], $0x200  }
0x16: {  	[sflag:s10] =	ssyncset.done $0x0  }
0x17: {  	s0 =	simm.s32 $0x400;
	[sflag:s10] =	ssyncadd.s32 $0xFFFFFE00  }
0x18: {  	[tilespmem:s0], [sflag:$0x1] =	stream.indirect.gather [hbm4b:s1+s11], $0x80, s4, s11, $0xb8;
	[tilespmem:$0x10780] =	vst v63  }
0x19: {  	s14 =	simm.s32 $0x8400  }
0x1a: {  	[tilespmem:s14], [sflag:$0x1] =	stream.indirect.gather [hbm4b:s2+s11], $0x80, s9, s11, $0xb8;
	[tilespmem:$0x10780] =	vst v63  }
0x1b: {  	s15 =	simm.s32 $0x2400  }
0x1c: {  	[tilespmem:s15], [sflag:$0x2] =	stream.indirect.gather [hbm4b:s1+s11], $0x80, s11, s11, $0xb8;
	[tilespmem:$0x10780] =	vst v63  }
0x1d: {  	s16 =	simm.s32 $0x240;
	s3 =	simm.s32 $0xA400  }
0x1e: {  	[tilespmem:s3], [sflag:$0x2] =	stream.indirect.gather [hbm4b:s2+s11], $0x80, s16, s11, $0xb8;
	[tilespmem:$0x10780] =	vst v63  }
0x1f: {  	s17 =	simm.s32 $0x80;
	s18 =	simm.s32 $0x4400  }
0x20: {  	[tilespmem:s18], [sflag:$0x3] =	stream.indirect.gather [hbm4b:s1+s11], $0x80, s17, s11, $0xb8;
	[tilespmem:$0x10780] =	vst v63  }
0x21: {  	_ = 	snop  }
0x22: {  	[tilespmem:s20], [sflag:$0x3] =	stream.indirect.gather [hbm4b:s2+s11], $0x80, s19, s11, $0xb8;
	[tilespmem:$0x10780] =	vst v63  }
0x23: {  	_ = 	snop  }
0x24: {  	[tilespmem:s22], [sflag:$0x4] =	stream.indirect.gather [hbm4b:s1+s11], $0x80, s21, s11, $0xb8;
	[tilespmem:$0x10780] =	vst v63  }
0x25: {  	s30 =	simm.s32 $0x0;
	s31 =	simm.s32 $0x0  }
0x26: {  	[tilespmem:s24], [sflag:$0x4] =	stream.indirect.gather [hbm4b:s2+s11], $0x80, s23, s11, $0xb8;
	[tilespmem:$0x10780] =	vst v63  }
.LBB2_2:
0x27: {  	s0 =	sand.u32 $0x3, s31  }
0x28: {  	s0 =	sadd.s32 $0x1, s0  }
0x29: {  	_ =	swait.ge [sflag:s0], $0x2000  }
0x2a: {  	s3 =	sshll.u32 s30, $0xD;
	[sflag:s0] =	ssyncset.done $0x0  }
0x2b: {  	s12 =	sshll.u32 s31, $0x6;
	s13 =	simm.s32 $0x0;
	[sflag:s0] =	ssyncadd.s32 $0xFFFFE000  }
0x2c: {  	s14 =	simm.s32 $0x0;
	s12 =	sand.u32 $0x3FFFFFC0, s12;
	_ =	swait.ge [sflag:s0], $0x2000  }
0x2d: {  	s3 =	sand.u32 $0x6000, s3;
	s18 =	sadd.s32 $0x10580, s12;
	[sflag:s0] =	ssyncset.done $0x0  }
0x2e: {  	s16 =	sor.u32 $0x480, s3;
	s17 =	sor.u32 $0x8480, s3;
	v1 =	vmov s18;
	[sflag:s0] =	ssyncadd.s32 $0xFFFFE000  }
.LBB2_3:
0x2f: {  	v2 =	vld [tilespmem:s16+$0xFFFFFF80]  }
0x30: {  	v3 =	vld [tilespmem:s17+$0xFFFFFF80]  }
0x31: {  	v4 =	vld [tilespmem:s17+$0xFFFFFF90]  }
0x32: {  	v5 =	vld [tilespmem:s16+$0xFFFFFF90]  }
0x33: {  	v6 =	vld [tilespmem:s17+$0xFFFFFFA0]  }
0x34: {  	v7 =	vld [tilespmem:s16+$0xFFFFFFA0]  }
0x35: {  	v8 =	vld [tilespmem:s16+$0xFFFFFFB0];
	v2 =	vmul.f32 v3, v2  }
0x36: {  	v3 =	vld [tilespmem:s17+$0xFFFFFFB0]  }
0x37: {  	v9 =	vld [tilespmem:s16+$0xFFFFFFC0];
	v4 =	vmul.f32 v4, v5;
	v2 =	vadd.f32 $0.0e+00, v2  }
0x38: {  	v5 =	vld [tilespmem:s17+$0xFFFFFFC0]  }
0x39: {  	v2 =	vadd.f32 v4, v2;
	v4 =	vmul.f32 v6, v7;
	v6 =	vld [tilespmem:s17+$0xFFFFFFD0]  }
0x3a: {  	v7 =	vld [tilespmem:s16+$0xFFFFFFD0]  }
0x3b: {  	v58 =	vld [tilespmem:s16+$0xFFFFFFE0];
	v3 =	vmul.f32 v3, v8;
	v2 =	vadd.f32 v4, v2  }
0x3c: {  	v4 =	vld [tilespmem:s17+$0xFFFFFFE0]  }
0x3d: {  	v59 =	vld [tilespmem:s16+$0xFFFFFFF0];
	v2 =	vadd.f32 v3, v2;
	v3 =	vmul.f32 v5, v9  }
0x3e: {  	v5 =	vld [tilespmem:s17+$0xFFFFFFF0]  }
0x3f: {  	v2 =	vadd.f32 v3, v2;
	v3 =	vmul.f32 v6, v7;
	_ =	sdelay $0x1  }
0x40: {  	v2 =	vadd.f32 v3, v2;
	v3 =	vmul.f32 v4, v58  }
0x41: {  	v4 =	vadd.s32 s13, v0  }
0x42: {  	v2 =	vadd.f32 v3, v2;
	v3 =	vmul.f32 v5, v59;
	_ =	sdelay $0x1  }
0x43: {  	v2 =	vadd.f32 v3, v2;
	_ =	sdelay $0x1  }
0x44: {  	[tilespmem:v4+s25+$0x0] =	vst.idx.msk $0xffff, v2  }
0x45: {  	v2 =	vld [tilespmem:s16+$0x0]  }
0x46: {  	v3 =	vld [tilespmem:s17+$0x0]  }
0x47: {  	v4 =	vld [tilespmem:s17+$0x10]  }
0x48: {  	v5 =	vld [tilespmem:s16+$0x10]  }
0x49: {  	v6 =	vld [tilespmem:s17+$0x20]  }
0x4a: {  	v7 =	vld [tilespmem:s16+$0x20]  }
0x4b: {  	v60 =	vld [tilespmem:s17+$0x30];
	v2 =	vmul.f32 v3, v2  }
0x4c: {  	v3 =	vld [tilespmem:s16+$0x30]  }
0x4d: {  	v61 =	vld [tilespmem:s16+$0x40];
	v4 =	vmul.f32 v4, v5;
	v2 =	vadd.f32 $0.0e+00, v2  }
0x4e: {  	v5 =	vld [tilespmem:s17+$0x40]  }
0x4f: {  	v6 =	vmul.f32 v6, v7;
	v7 =	vld [tilespmem:s17+$0x50];
	v2 =	vadd.f32 v4, v2  }
0x50: {  	v4 =	vld [tilespmem:s16+$0x50]  }
0x51: {  	v62 =	vld [tilespmem:s17+$0x60];
	v3 =	vmul.f32 v60, v3;
	v2 =	vadd.f32 v6, v2  }
0x52: {  	v6 =	vld [tilespmem:s16+$0x60]  }
0x53: {  	v63 =	vld [tilespmem:s17+$0x70];
	v5 =	vmul.f32 v5, v61;
	v2 =	vadd.f32 v3, v2  }
0x54: {  	v3 =	vld [tilespmem:s16+$0x70]  }
0x55: {  	v4 =	vmul.f32 v7, v4;
	v2 =	vadd.f32 v5, v2;
	_ =	sdelay $0x1  }
0x56: {  	s3 =	simm.s32 $0x1;
	v5 =	vmul.f32 v62, v6;
	v4 =	vadd.f32 v4, v2  }
0x57: {  	v2 =	vadd.s32 s3, v0  }
0x58: {  	s15 =	simm.s32 $0x2;
	s12 =	smov.u32 s17;
	s3 =	smov.u32 s16;
	v3 =	vmul.f32 v63, v3;
	v4 =	vadd.f32 v5, v4  }
.LBB2_4:
0x59: {  	_ = 	snop  }
0x5a: {  	p0 =	sne.s32 s15, $0xE;
	s3 =	sadd.s32 $0x100, s3;
	s12 =	sadd.s32 $0x100, s12;
	v3 =	vadd.f32 v3, v4  }
0x5b: {  	s18 =	smov.u32 s15;
	s15 =	sadd.s32 $0x2, s15  }
0x5c: {  	[tilespmem:v2+s25+$0x0] =	vst.idx.msk $0xffff, v3  }
0x5d: {  	v2 =	vld [tilespmem:s3+$0xFFFFFF80]  }
0x5e: {  	v3 =	vld [tilespmem:s12+$0xFFFFFF80]  }
0x5f: {  	v4 =	vld [tilespmem:s12+$0xFFFFFF90]  }
0x60: {  	v5 =	vld [tilespmem:s3+$0xFFFFFF90]  }
0x61: {  	v6 =	vld [tilespmem:s12+$0xFFFFFFA0]  }
0x62: {  	v7 =	vld [tilespmem:s3+$0xFFFFFFA0]  }
0x63: {  	v2 =	vmul.f32 v3, v2;
	v3 =	vld [tilespmem:s12+$0xFFFFFFB0]  }
0x64: {  	v8 =	vld [tilespmem:s3+$0xFFFFFFB0]  }
0x65: {  	v2 =	vadd.f32 $0.0e+00, v2;
	v4 =	vmul.f32 v4, v5;
	v5 =	vld [tilespmem:s12+$0xFFFFFFC0]  }
0x66: {  	v9 =	vld [tilespmem:s3+$0xFFFFFFC0]  }
0x67: {  	v2 =	vadd.f32 v4, v2;
	v4 =	vmul.f32 v6, v7;
	v6 =	vld [tilespmem:s12+$0xFFFFFFD0]  }
0x68: {  	v7 =	vld [tilespmem:s3+$0xFFFFFFD0]  }
0x69: {  	v2 =	vadd.f32 v4, v2;
	v3 =	vmul.f32 v3, v8;
	v4 =	vld [tilespmem:s12+$0xFFFFFFE0]  }
0x6a: {  	v8 =	vld [tilespmem:s3+$0xFFFFFFE0]  }
0x6b: {  	v2 =	vadd.f32 v3, v2;
	v3 =	vmul.f32 v5, v9;
	v5 =	vld [tilespmem:s12+$0xFFFFFFF0]  }
0x6c: {  	v9 =	vld [tilespmem:s3+$0xFFFFFFF0]  }
0x6d: {  	v2 =	vadd.f32 v3, v2;
	v3 =	vmul.f32 v6, v7;
	_ =	sdelay $0x1  }
0x6e: {  	v2 =	vadd.f32 v3, v2;
	v3 =	vmul.f32 v4, v8  }
0x6f: {  	v4 =	vadd.s32 s18, v0  }
0x70: {  	v2 =	vadd.f32 v3, v2;
	v3 =	vmul.f32 v5, v9;
	_ =	sdelay $0x1  }
0x71: {  	v2 =	vadd.f32 v3, v2;
	_ =	sdelay $0x1  }
0x72: {  	[tilespmem:v4+s25+$0x0] =	vst.idx.msk $0xffff, v2  }
0x73: {  	v2 =	vld [tilespmem:s12+$0x10]  }
0x74: {  	v3 =	vld [tilespmem:s3+$0x0]  }
0x75: {  	v4 =	vld [tilespmem:s12+$0x0]  }
0x76: {  	v5 =	vld [tilespmem:s3+$0x10]  }
0x77: {  	v6 =	vld [tilespmem:s12+$0x20]  }
0x78: {  	v7 =	vld [tilespmem:s3+$0x20]  }
0x79: {  	v8 =	vld [tilespmem:s12+$0x30]  }
0x7a: {  	v3 =	vmul.f32 v4, v3;
	v4 =	vld [tilespmem:s3+$0x30]  }
0x7b: {  	v2 =	vmul.f32 v2, v5;
	v5 =	vld [tilespmem:s12+$0x40]  }
0x7c: {  	v3 =	vadd.f32 $0.0e+00, v3;
	v9 =	vld [tilespmem:s3+$0x40]  }
0x7d: {  	v6 =	vmul.f32 v6, v7;
	v7 =	vld [tilespmem:s12+$0x50]  }
0x7e: {  	v2 =	vadd.f32 v2, v3;
	v3 =	vld [tilespmem:s3+$0x50]  }
0x7f: {  	v4 =	vmul.f32 v8, v4;
	v8 =	vld [tilespmem:s12+$0x60]  }
0x80: {  	v2 =	vadd.f32 v6, v2;
	v6 =	vld [tilespmem:s3+$0x60]  }
0x81: {  	v5 =	vmul.f32 v5, v9;
	v9 =	vld [tilespmem:s12+$0x70]  }
0x82: {  	v2 =	vadd.f32 v4, v2;
	v4 =	vld [tilespmem:s3+$0x70]  }
0x83: {  	v3 =	vmul.f32 v7, v3  }
.Ltmp0:
0x84: {  	v2 =	vadd.f32 v5, v2;
	(pc) =	sbr.rel @p0 .LBB2_4-.Ltmp0, $4  }
0x85: {  	s18 =	sadd.s32 $0x1, s18;
	v5 =	vmul.f32 v8, v6  }
0x86: {  	v6 =	vadd.f32 v3, v2;
	v2 =	vadd.s32 s18, v0  }
0x87: {  	v3 =	vmul.f32 v9, v4  }
0x88: {  	v4 =	vadd.f32 v5, v6  }
0x89: {  	_ =	sdelay $0x1  }
0x8a: {  	v3 =	vadd.f32 v3, v4;
	_ =	sdelay $0x1  }
0x8b: {  	[tilespmem:v2+s25+$0x0] =	vst.idx.msk $0xffff, v3  }
0x8c: {  	v2 =	vld [tilespmem:$0x10400];
	_ =	sdelay $0x1  }
0x8d: {  	v3 =	vld [tilespmem:$0x10411];
	_ =	sdelay $0x1  }
0x8e: {  	v55 =	vld [tilespmem:$0x10422]  }
0x8f: {  	v2 =	vadd.f32 $0.0e+00, v2  }
0x90: {  	v5 =	vld [tilespmem:$0x10433]  }
0x91: {  	v2 =	vadd.f32 v3, v2  }
0x92: {  	v3 =	vld [tilespmem:$0x10444]  }
0x93: {  	v2 =	vadd.f32 v55, v2  }
0x94: {  	v56 =	vld [tilespmem:$0x10455]  }
0x95: {  	v2 =	vadd.f32 v5, v2  }
0x96: {  	v57 =	vld [tilespmem:$0x10466]  }
0x97: {  	v2 =	vadd.f32 v3, v2  }
0x98: {  	v3 =	vld [tilespmem:$0x10477]  }
0x99: {  	v2 =	vadd.f32 v56, v2  }
0x9a: {  	v58 =	vld [tilespmem:$0x10488]  }
0x9b: {  	v2 =	vadd.f32 v57, v2  }
0x9c: {  	v59 =	vld [tilespmem:$0x10499]  }
0x9d: {  	v2 =	vadd.f32 v3, v2  }
0x9e: {  	v3 =	vld [tilespmem:$0x104AA]  }
0x9f: {  	v2 =	vadd.f32 v58, v2  }
0xa0: {  	v60 =	vld [tilespmem:$0x104BB]  }
0xa1: {  	v2 =	vadd.f32 v59, v2  }
0xa2: {  	v61 =	vld [tilespmem:$0x104CC]  }
0xa3: {  	v2 =	vadd.f32 v3, v2  }
0xa4: {  	v3 =	vld [tilespmem:$0x104DD]  }
0xa5: {  	v2 =	vadd.f32 v60, v2  }
0xa6: {  	v62 =	vld [tilespmem:$0x104EE]  }
0xa7: {  	v2 =	vadd.f32 v61, v2  }
0xa8: {  	v63 =	vld [tilespmem:$0x104FF]  }
0xa9: {  	s3 =	sshll.u32 s14, $0x4;
	s14 =	sadd.s32 $0x1, s14;
	v2 =	vadd.f32 v3, v2  }
0xaa: {  	p0 =	sne.s32 s14, $0x4  }
.Ltmp1:
0xab: {  	v2 =	vadd.f32 v62, v2;
	(pc) =	sbr.rel @p0 .LBB2_3-.Ltmp1, $4  }
0xac: {  	_ = 	snop  }
0xad: {  	v2 =	vadd.f32 v63, v2  }
0xae: {  	s3 =	sand.u32 $0x3FFFFFF0, s3  }
0xaf: {  	s16 =	sadd.s32 $0x800, s16;
	s17 =	sadd.s32 $0x800, s17;
	[tilespmem:v1+s3+$0x0 ss:$0x1] =	vst.idx.msk $0xffff, v2  }
0xb0: {  	p0 =	sgt.u32 s31, $0x3  }
0xb1: {  	s3 =	sshll.u32 @!p0 s31, $0x6;
	s12 =	sshll.u32 @!p0 s31, $0xD  }
0xb2: {  	s15 =	simm.s32 @!p0 $0x40;
	s13 =	sor.u32 @!p0 $0x100, s3;
	s14 =	sor.u32 @!p0 $0x400, s12  }
0xb3: {  	[tilespmem:s14], [sflag:s0] =	stream.indirect.gather @!p0 [hbm4b:s1+s15], $0x80, s13, s15, $0xb8;
	[tilespmem:$0x10780] =	vst v63  }
0xb4: {  	s31 =	sadd.s32 $0x1, s31;
	s12 =	sadd.s32 @!p0 $0x8400, s12;
	s3 =	sadd.s32 @!p0 $0x300, s3  }
0xb5: {  	[tilespmem:s12], [sflag:s0] =	stream.indirect.gather @!p0 [hbm4b:s2+s15], $0x80, s3, s15, $0xb8;
	[tilespmem:$0x10780] =	vst v63  }
0xb6: {  	p0 =	sne.s32 s31, $0x8  }
.Ltmp2:
0xb7: {  	_ = 	snop;
	(pc) =	sbr.rel @p0 .LBB2_2-.Ltmp2, $2  }
0xb8: {  	_ =	sdelay $0x2  }
0xb9: {  	s30 =	sadd.s32 $0x1, s30  }
0xba: {  	s29 =	sadd.s32 $0x1, s29  }
0xbb: {  	p0 =	sne.s32 s29, s8  }
.Ltmp3:
0xbc: {  	_ = 	snop;
	(pc) =	sbr.rel @p0 .LBB2_1-.Ltmp3, $4  }
0xbd: {  	[hbm4b:s7+s4] =	stream.linear.scatter [tilespmem:s26], [sflag:$0x6], $0x200, $0x38;
	[tilespmem:$0x10780] =	vst v63  }
0xbe: {  	_ =	swait.ge [sflag:s28], $0x200  }
0xbf: {  	[sflag:s28] =	ssyncset.done $0x0  }
0xc0: {  	[sflag:s28] =	ssyncadd.s32 $0xFFFFFE00  }
0xc1: {  	_ =	sfence.sel $0x180000  }
0xc2: {  	[bflag:$0x0] =	sbarrier.arrive $0xFFFF  }
0xc3: {  	_ =	strace $0x90000047  }
0xc4: {  	s0 =	stileid.u32;
	[bflag:$0x2] =	sbarrier.arrive $0xFFFF  }
0xc5: {  	p0 =	sne.s32 s0, $0x0;
	s0 =	rddreg [dreg:$0x5]  }
0xc6: {  	s0 =	sadd.s32 @!p0 $0x100000, s0  }
0xc7: {  	[sflag:s0] =	ssyncadd.tile.s32 @!p0 $0x1;
	_ =	shalt  }
.Lfunc_end2:
_tile_overlayer_lowered:
.L_overlay_start_2:
0xc8: {  	(tag) =	ssettag $0x2  }
0xc9: {  	s0 =	rddreg [dreg:$0x0];
	s2 =	stileid.u32  }
0xca: {  	s1 =	rddreg [dreg:$0x1];
	p0 =	sne.s32 s2, $0x0  }
0xcb: {  	s3 =	rddreg [dreg:$0x2];
	[bflag:$0x3] =	sbarrier.arrive $0xFFFF;
	s2 =	simm.s32 @!p0 $0x1C06  }
0xcc: {  	[timem:s3], [sflag:s2] =	dma.local @!p0 [hbm:s0], s1  }
0xcd: {  	s0 =	simm.s32 @!p0 $0x6  }
0xce: {  	_ =	swait.ge @!p0 [sflag:s0], s1  }
0xcf: {  	s1 =	ssub.s32 @!p0 $0x0, s1;
	[sflag:s0] =	ssyncset.done @!p0 $0x0  }
0xd0: {  	[sflag:s0] =	ssyncadd.s32 @!p0 s1  }
0xd1: {  	[bflag:$0x3] =	sbarrier.arrive $0xFFFF  }
0xd2: {  	_ =	shalt  }

</sc_bundles>
